<compile_context>
chip_gen: v7x
topology: tpu7x:2x2x1
jax: 0.10.2.dev20260603
libtpu: 0.0.44.dev20260713+nightly
codegen_flags: <defaults>
</compile_context>

<pallas_src>
import functools

import jax
import jax.numpy as jnp
from jax import lax
from jax.experimental import pallas as pl
from jax.experimental.pallas import tpu as pltpu
from jax.experimental.pallas import tpu_sc as plsc

N = 10000
E = 320000
NPAD = 10112
K = 128
CHUNKS = E // K
DEGW = 8
NBUF = 8
PD = 4


def _make_agg(d):
    info = plsc.get_sparse_core_info()
    nc, ns = info.num_cores, info.num_subcores
    nw = nc * ns
    cw = CHUNKS // nw
    nx = CHUNKS - cw * nw
    rpt = NPAD // ns

    mesh = plsc.VectorSubcoreMesh(core_axis_name="c", subcore_axis_name="s")

    @functools.partial(
        pl.kernel,
        mesh=mesh,
        out_type=jax.ShapeDtypeStruct((nc, NPAD, d), jnp.float32),
        compiler_params=pltpu.CompilerParams(use_tc_tiling_on_sc=False),
        scratch_types=[
            pltpu.VMEM((cw, K), jnp.int32),
            pltpu.VMEM((cw, K), jnp.int32),
            pltpu.VMEM((1, K), jnp.int32),
            pltpu.VMEM((1, K), jnp.int32),
            pltpu.VMEM((NBUF, K, d), jnp.float32),
            pltpu.VMEM_SHARED((NPAD, d), jnp.float32),
            pltpu.SemaphoreType.DMA((NBUF,)),
        ],
    )
    def agg(src_hbm, dst_hbm, zs_hbm, zeros_hbm, out_hbm, sidx, didx, sidx_x,
            didx_x, rows, acc, gsem):
        c = lax.axis_index("c")
        s = lax.axis_index("s")
        wid = c * ns + s
        pltpu.sync_copy(zeros_hbm.at[pl.ds(s * rpt, rpt)],
                        acc.at[pl.ds(s * rpt, rpt)])
        pltpu.sync_copy(src_hbm.at[pl.ds(wid * cw, cw)], sidx)
        pltpu.sync_copy(dst_hbm.at[pl.ds(wid * cw, cw)], didx)

        @pl.when(wid < nx)
        def _():
            pltpu.sync_copy(src_hbm.at[pl.ds(cw * nw + wid, 1)], sidx_x)
            pltpu.sync_copy(dst_hbm.at[pl.ds(cw * nw + wid, 1)], didx_x)

        plsc.subcore_barrier()

        for b in range(PD):
            pltpu.async_copy(zs_hbm.at[sidx.at[b]], rows.at[b], gsem.at[b])

        def body(j, carry):
            jb = j + PD
            b2 = lax.rem(jb, NBUF)

            @pl.when(jb < cw)
            def _():
                pltpu.async_copy(zs_hbm.at[sidx.at[jb]], rows.at[b2],
                                 gsem.at[b2])

            b = lax.rem(j, NBUF)
            pltpu.make_async_copy(zs_hbm.at[sidx.at[j]], rows.at[b],
                                  gsem.at[b]).wait()
            pltpu.sync_copy(rows.at[b], acc.at[didx.at[j]], add=True)
            return carry

        lax.fori_loop(0, cw, body, 0)

        @pl.when(wid < nx)
        def _():
            pltpu.sync_copy(zs_hbm.at[sidx_x.at[0]], rows.at[0])
            pltpu.sync_copy(rows.at[0], acc.at[didx_x.at[0]], add=True)

        plsc.subcore_barrier()
        pltpu.sync_copy(acc.at[pl.ds(s * rpt, rpt)],
                        out_hbm.at[c, pl.ds(s * rpt, rpt)])

    return agg


def _make_deg():
    info = plsc.get_sparse_core_info()
    nc, ns = info.num_cores, info.num_subcores
    nw = nc * ns
    cw = CHUNKS // nw
    nx = CHUNKS - cw * nw
    rpt = NPAD // ns

    mesh = plsc.VectorSubcoreMesh(core_axis_name="c", subcore_axis_name="s")

    @functools.partial(
        pl.kernel,
        mesh=mesh,
        out_type=jax.ShapeDtypeStruct((nc, NPAD, DEGW), jnp.float32),
        compiler_params=pltpu.CompilerParams(use_tc_tiling_on_sc=False),
        scratch_types=[
            pltpu.VMEM((cw, K), jnp.int32),
            pltpu.VMEM((1, K), jnp.int32),
            pltpu.VMEM((K, DEGW), jnp.float32),
            pltpu.VMEM_SHARED((NPAD, DEGW), jnp.float32),
        ],
    )
    def deg(dst_hbm, ones_hbm, zeros_hbm, out_hbm, didx, didx_x, ones, acc):
        c = lax.axis_index("c")
        s = lax.axis_index("s")
        wid = c * ns + s
        pltpu.sync_copy(zeros_hbm.at[pl.ds(s * rpt, rpt)],
                        acc.at[pl.ds(s * rpt, rpt)])
        pltpu.sync_copy(dst_hbm.at[pl.ds(wid * cw, cw)], didx)
        pltpu.sync_copy(ones_hbm, ones)

        @pl.when(wid < nx)
        def _():
            pltpu.sync_copy(dst_hbm.at[pl.ds(cw * nw + wid, 1)], didx_x)

        plsc.subcore_barrier()

        def body(j, carry):
            pltpu.sync_copy(ones, acc.at[didx.at[j]], add=True)
            return carry

        lax.fori_loop(0, cw, body, 0)

        @pl.when(wid < nx)
        def _():
            pltpu.sync_copy(ones, acc.at[didx_x.at[0]], add=True)

        plsc.subcore_barrier()
        pltpu.sync_copy(acc.at[pl.ds(s * rpt, rpt)],
                        out_hbm.at[c, pl.ds(s * rpt, rpt)])

    return deg


def _tc1a_body(x_ref, w_ref, z_ref):
    z_ref[...] = jnp.dot(x_ref[...], w_ref[...],
                         preferred_element_type=jnp.float32)


def _tc1b_body(degp_ref, z_ref, zs_ref):
    deg = degp_ref[0] + degp_ref[1] + 1.0
    dinv = lax.rsqrt(deg)
    zs_ref[:, 64:65] = dinv
    zs_ref[0:N, 0:64] = dinv[0:N] * z_ref[...]
    zs_ref[N:NPAD, 0:64] = jnp.zeros((NPAD - N, 64), jnp.float32)


def _tc2_body(acc_ref, zs_ref, b_ref, w_ref, out_ref):
    dinv = zs_ref[:, 64:65]
    agg = acc_ref[0] + acc_ref[1] + zs_ref[:, 0:64]
    h = jnp.maximum(dinv * agg + b_ref[...], 0.0)
    z2 = jnp.dot(h[0:N], w_ref[...], preferred_element_type=jnp.float32)
    out_ref[:, 32:33] = dinv
    out_ref[0:N, 0:32] = dinv[0:N] * z2
    out_ref[N:NPAD, 0:32] = jnp.zeros((NPAD - N, 32), jnp.float32)


def _tc3_body(acc_ref, zs_ref, b_ref, wc_ref, bc_ref, out_ref):
    dinv = zs_ref[0:N, 32:33]
    agg = acc_ref[0, 0:N] + acc_ref[1, 0:N] + zs_ref[0:N, 0:32]
    h = jnp.maximum(dinv * agg + b_ref[...], 0.0)
    o = jnp.dot(h, wc_ref[...], preferred_element_type=jnp.float32) + bc_ref[...]
    out_ref[...] = jax.nn.sigmoid(o)


def kernel(x, edge_index, W1, b1, W2, b2, Wc, bc):
    src_p = edge_index[0].reshape(CHUNKS, K)
    dst_p = edge_index[1].reshape(CHUNKS, K)

    zeros64 = jnp.zeros((NPAD, 64), jnp.float32)
    zeros32 = jnp.zeros((NPAD, 32), jnp.float32)
    zerosd = jnp.zeros((NPAD, DEGW), jnp.float32)
    onesd = jnp.ones((K, DEGW), jnp.float32)

    degp = _make_deg()(dst_p, onesd, zerosd)[:, :, 0:1]

    tc1a = pl.pallas_call(
        _tc1a_body,
        out_shape=jax.ShapeDtypeStruct((N, 64), jnp.float32),
    )
    z1 = tc1a(x, W1)

    tc1b = pl.pallas_call(
        _tc1b_body,
        out_shape=jax.ShapeDtypeStruct((NPAD, 65), jnp.float32),
    )
    zsx1 = tc1b(degp, z1)

    acc1 = _make_agg(64)(src_p, dst_p, zsx1[:, 0:64], zeros64)

    tc2 = pl.pallas_call(
        _tc2_body,
        out_shape=jax.ShapeDtypeStruct((NPAD, 33), jnp.float32),
    )
    zsx2 = tc2(acc1, zsx1, b1.reshape(1, 64), W2)

    acc2 = _make_agg(32)(src_p, dst_p, zsx2[:, 0:32], zeros32)

    tc3 = pl.pallas_call(
        _tc3_body,
        out_shape=jax.ShapeDtypeStruct((N, 1), jnp.float32),
    )
    return tc3(acc2, zsx2, b2.reshape(1, 32), Wc, bc.reshape(1, 1))

# --- scband reference (transcript-rebuilt; emitter-appended) ---
"""Pipeline reference for scband-fraud-gnn-11390253269467 (READ-ONLY COPY).

The authoritative reference and input builder live on the scoring server;
editing this copy changes nothing except your own understanding.
"""

import jax, jax.numpy as jnp
import numpy as np

N_NODES = 10000
N_EDGES = 320000
D_IN = 128


def gcn_conv(x, edge_index, W, b):
    n = x.shape[0]
    src = edge_index[0]
    dst = edge_index[1]
    loop = jnp.arange(n, dtype=src.dtype)
    src = jnp.concatenate([src, loop])
    dst = jnp.concatenate([dst, loop])
    h = x @ W
    deg = jax.ops.segment_sum(jnp.ones(src.shape[0], dtype=h.dtype), dst, num_segments=n)
    dinv = jnp.where(deg > 0, deg ** -0.5, 0.0)
    norm = dinv[src] * dinv[dst]
    msg = h[src] * norm[:, None]
    out = jax.ops.segment_sum(msg, dst, num_segments=n)
    return out + b


def setup_inputs(seed: int = 0) -> dict:
    key = jax.random.key(seed)
    ks = jax.random.split(key, 8)
    x = jax.random.normal(ks[0], (N_NODES, D_IN), dtype=jnp.float32)
    edge_index = jax.random.randint(ks[1], (2, N_EDGES), 0, N_NODES, dtype=jnp.int32)
    W1 = jax.random.normal(ks[2], (D_IN, 64), dtype=jnp.float32) * (1.0 / np.sqrt(D_IN))
    b1 = jnp.zeros((64,), dtype=jnp.float32)
    W2 = jax.random.normal(ks[3], (64, 32), dtype=jnp.float32) * (1.0 / np.sqrt(64))
    b2 = jnp.zeros((32,), dtype=jnp.float32)
    Wc = jax.random.normal(ks[4], (32, 1), dtype=jnp.float32) * (1.0 / np.sqrt(32))
    bc = jnp.zeros((1,), dtype=jnp.float32)
    return {"x": x, "edge_index": edge_index, "W1": W1, "b1": b1, "W2": W2, "b2": b2, "Wc": Wc, "bc": bc}


def reference(x, edge_index, W1, b1, W2, b2, Wc, bc):
    h = jax.nn.relu(gcn_conv(x, edge_index, W1, b1))
    h = jax.nn.relu(gcn_conv(h, edge_index, W2, b2))
    return jax.nn.sigmoid(h @ Wc + bc)

if __name__ == "__main__":
    import jax
    _d = setup_inputs()
    print(jax.jit(kernel)(*tuple(_d.values())))

</pallas_src>

<mosaic_0001>
#map = affine_map<(d0, d1) -> (0, 0)>
#map1 = affine_map<(d0, d1) -> (0, 0, 0)>
module attributes {stable_mosaic.version = 14 : i64} {
  func.func @agg(%arg0: i32, %arg1: i32, %arg2: memref<2500x128xi32, #tpu.memory_space<hbm>>, %arg3: memref<2500x128xi32, #tpu.memory_space<hbm>>, %arg4: memref<10112x64xf32, #tpu.memory_space<hbm>>, %arg5: memref<10112x64xf32, #tpu.memory_space<hbm>>, %arg6: memref<2x10112x64xf32, #tpu.memory_space<hbm>>, %arg7: memref<78x128xi32, #tpu.memory_space<vmem>>, %arg8: memref<78x128xi32, #tpu.memory_space<vmem>>, %arg9: memref<1x128xi32, #tpu.memory_space<vmem>>, %arg10: memref<1x128xi32, #tpu.memory_space<vmem>>, %arg11: memref<8x128x64xf32, #tpu.memory_space<vmem>>, %arg12: memref<10112x64xf32, #tpu.memory_space<vmem_shared>>, %arg13: memref<8x!tpu.dma_semaphore, #tpu.memory_space<semaphore_mem>>) attributes {dimension_semantics = [#tpu.dimension_semantics<core_parallel>, #tpu.dimension_semantics<subcore_parallel>], iteration_bounds = array<i64: 2, 16>, scalar_prefetch = 0 : i64, scratch_operands = 7 : i64, tpu.core_type = #tpu.core_type<sc_vector_subcore>, window_params = [{transform_indices = #map}, {transform_indices = #map}, {transform_indices = #map}, {transform_indices = #map}, {transform_indices = #map1}]} {
    %mul3A = arith.constant 16 : i32
    %mul3A_0 = arith.muli %arg0, %mul3A : i32
    %add3A = arith.addi %mul3A_0, %arg1 : i32
    %mul3A_1 = arith.constant 632 : i32
    %mul3A_2 = arith.muli %arg1, %mul3A_1 : i32
    %mul3A_3 = arith.constant 632 : i32
    %mul3A_4 = arith.muli %arg1, %mul3A_3 : i32
    "tpu.region"() ({
      %run_scoped3A = tpu.sem_alloc : memref<!tpu.dma_semaphore, #tpu.memory_space<semaphore_mem>>
      %dma_start3A_85 = arith.constant 0 : i32
      %dma_start3A_86 = tpu.memref_slice %arg12[%mul3A_4, %dma_start3A_85] : memref<10112x64xf32, #tpu.memory_space<vmem_shared>> -> memref<632x64xf32, #tpu.memory_space<vmem_shared>>
      %dma_start3A_87 = arith.constant 0 : i32
      %dma_start3A_88 = tpu.memref_slice %arg5[%mul3A_2, %dma_start3A_87] : memref<10112x64xf32, #tpu.memory_space<hbm>> -> memref<632x64xf32, #tpu.memory_space<hbm>>
      tpu.enqueue_dma source(%dma_start3A_88 : memref<632x64xf32, #tpu.memory_space<hbm>>) target(%dma_start3A_86 : memref<632x64xf32, #tpu.memory_space<vmem_shared>>) target_semaphore(%run_scoped3A : memref<!tpu.dma_semaphore, #tpu.memory_space<semaphore_mem>>)
      %dma_wait3A = arith.constant 0 : i32
      %dma_wait3A_89 = tpu.memref_slice %arg12[%mul3A_4, %dma_wait3A] : memref<10112x64xf32, #tpu.memory_space<vmem_shared>> -> memref<632x64xf32, #tpu.memory_space<vmem_shared>>
      %dma_wait3A_90 = arith.constant 0 : i32
      %dma_wait3A_91 = tpu.memref_slice %arg5[%mul3A_2, %dma_wait3A_90] : memref<10112x64xf32, #tpu.memory_space<hbm>> -> memref<632x64xf32, #tpu.memory_space<hbm>>
      tpu.wait_dma2 semaphore(%run_scoped3A : memref<!tpu.dma_semaphore, #tpu.memory_space<semaphore_mem>>) src(%dma_wait3A_91 : memref<632x64xf32, #tpu.memory_space<hbm>>) dst(%dma_wait3A_89 : memref<632x64xf32, #tpu.memory_space<vmem_shared>>)
      tpu.yield
    }) : () -> ()
    %mul3A_5 = arith.constant 78 : i32
    %mul3A_6 = arith.muli %add3A, %mul3A_5 : i32
    "tpu.region"() ({
      %run_scoped3A = tpu.sem_alloc : memref<!tpu.dma_semaphore, #tpu.memory_space<semaphore_mem>>
      %dma_start3A_85 = arith.constant 0 : i32
      %dma_start3A_86 = tpu.memref_slice %arg2[%mul3A_6, %dma_start3A_85] : memref<2500x128xi32, #tpu.memory_space<hbm>> -> memref<78x128xi32, #tpu.memory_space<hbm>>
      %dma_start3A_87 = arith.constant 0 : i32
      %dma_start3A_88 = tpu.memref_slice %arg2[%mul3A_6, %dma_start3A_87] : memref<2500x128xi32, #tpu.memory_space<hbm>> -> memref<78x128xi32, #tpu.memory_space<hbm>>
      tpu.enqueue_dma source(%dma_start3A_88 : memref<78x128xi32, #tpu.memory_space<hbm>>) target(%arg7 : memref<78x128xi32, #tpu.memory_space<vmem>>) target_semaphore(%run_scoped3A : memref<!tpu.dma_semaphore, #tpu.memory_space<semaphore_mem>>)
      %dma_wait3A = arith.constant 0 : i32
      %dma_wait3A_89 = tpu.memref_slice %arg2[%mul3A_6, %dma_wait3A] : memref<2500x128xi32, #tpu.memory_space<hbm>> -> memref<78x128xi32, #tpu.memory_space<hbm>>
      %dma_wait3A_90 = arith.constant 0 : i32
      %dma_wait3A_91 = tpu.memref_slice %arg2[%mul3A_6, %dma_wait3A_90] : memref<2500x128xi32, #tpu.memory_space<hbm>> -> memref<78x128xi32, #tpu.memory_space<hbm>>
      tpu.wait_dma2 semaphore(%run_scoped3A : memref<!tpu.dma_semaphore, #tpu.memory_space<semaphore_mem>>) src(%dma_wait3A_91 : memref<78x128xi32, #tpu.memory_space<hbm>>) dst(%arg7 : memref<78x128xi32, #tpu.memory_space<vmem>>)
      tpu.yield
    }) : () -> ()
    %mul3A_7 = arith.constant 78 : i32
    %mul3A_8 = arith.muli %add3A, %mul3A_7 : i32
    "tpu.region"() ({
      %run_scoped3A = tpu.sem_alloc : memref<!tpu.dma_semaphore, #tpu.memory_space<semaphore_mem>>
      %dma_start3A_85 = arith.constant 0 : i32
      %dma_start3A_86 = tpu.memref_slice %arg3[%mul3A_8, %dma_start3A_85] : memref<2500x128xi32, #tpu.memory_space<hbm>> -> memref<78x128xi32, #tpu.memory_space<hbm>>
      %dma_start3A_87 = arith.constant 0 : i32
      %dma_start3A_88 = tpu.memref_slice %arg3[%mul3A_8, %dma_start3A_87] : memref<2500x128xi32, #tpu.memory_space<hbm>> -> memref<78x128xi32, #tpu.memory_space<hbm>>
      tpu.enqueue_dma source(%dma_start3A_88 : memref<78x128xi32, #tpu.memory_space<hbm>>) target(%arg8 : memref<78x128xi32, #tpu.memory_space<vmem>>) target_semaphore(%run_scoped3A : memref<!tpu.dma_semaphore, #tpu.memory_space<semaphore_mem>>)
      %dma_wait3A = arith.constant 0 : i32
      %dma_wait3A_89 = tpu.memref_slice %arg3[%mul3A_8, %dma_wait3A] : memref<2500x128xi32, #tpu.memory_space<hbm>> -> memref<78x128xi32, #tpu.memory_space<hbm>>
      %dma_wait3A_90 = arith.constant 0 : i32
      %dma_wait3A_91 = tpu.memref_slice %arg3[%mul3A_8, %dma_wait3A_90] : memref<2500x128xi32, #tpu.memory_space<hbm>> -> memref<78x128xi32, #tpu.memory_space<hbm>>
      tpu.wait_dma2 semaphore(%run_scoped3A : memref<!tpu.dma_semaphore, #tpu.memory_space<semaphore_mem>>) src(%dma_wait3A_91 : memref<78x128xi32, #tpu.memory_space<hbm>>) dst(%arg8 : memref<78x128xi32, #tpu.memory_space<vmem>>)
      tpu.yield
    }) : () -> ()
    %lt3A = arith.constant 4 : i32
    %lt3A_9 = arith.cmpi slt, %add3A, %lt3A : i32
    %convert_element_type3A = arith.extui %lt3A_9 : i1 to i32
    %cond3A = arith.constant 0 : i32
    %cond3A_10 = arith.cmpi ne, %convert_element_type3A, %cond3A : i32
    scf.if %cond3A_10 {
      %add3A_85 = arith.constant 2496 : i32
      %add3A_86 = arith.addi %add3A_85, %add3A : i32
      "tpu.region"() ({
        %run_scoped3A = tpu.sem_alloc : memref<!tpu.dma_semaphore, #tpu.memory_space<semaphore_mem>>
        %dma_start3A_89 = arith.constant 0 : i32
        %dma_start3A_90 = tpu.memref_slice %arg2[%add3A_86, %dma_start3A_89] : memref<2500x128xi32, #tpu.memory_space<hbm>> -> memref<1x128xi32, #tpu.memory_space<hbm>>
        %dma_start3A_91 = arith.constant 0 : i32
        %dma_start3A_92 = tpu.memref_slice %arg2[%add3A_86, %dma_start3A_91] : memref<2500x128xi32, #tpu.memory_space<hbm>> -> memref<1x128xi32, #tpu.memory_space<hbm>>
        tpu.enqueue_dma source(%dma_start3A_92 : memref<1x128xi32, #tpu.memory_space<hbm>>) target(%arg9 : memref<1x128xi32, #tpu.memory_space<vmem>>) target_semaphore(%run_scoped3A : memref<!tpu.dma_semaphore, #tpu.memory_space<semaphore_mem>>)
        %dma_wait3A = arith.constant 0 : i32
        %dma_wait3A_93 = tpu.memref_slice %arg2[%add3A_86, %dma_wait3A] : memref<2500x128xi32, #tpu.memory_space<hbm>> -> memref<1x128xi32, #tpu.memory_space<hbm>>
        %dma_wait3A_94 = arith.constant 0 : i32
        %dma_wait3A_95 = tpu.memref_slice %arg2[%add3A_86, %dma_wait3A_94] : memref<2500x128xi32, #tpu.memory_space<hbm>> -> memref<1x128xi32, #tpu.memory_space<hbm>>
        tpu.wait_dma2 semaphore(%run_scoped3A : memref<!tpu.dma_semaphore, #tpu.memory_space<semaphore_mem>>) src(%dma_wait3A_95 : memref<1x128xi32, #tpu.memory_space<hbm>>) dst(%arg9 : memref<1x128xi32, #tpu.memory_space<vmem>>)
        tpu.yield
      }) : () -> ()
      %add3A_87 = arith.constant 2496 : i32
      %add3A_88 = arith.addi %add3A_87, %add3A : i32
      "tpu.region"() ({
        %run_scoped3A = tpu.sem_alloc : memref<!tpu.dma_semaphore, #tpu.memory_space<semaphore_mem>>
        %dma_start3A_89 = arith.constant 0 : i32
        %dma_start3A_90 = tpu.memref_slice %arg3[%add3A_88, %dma_start3A_89] : memref<2500x128xi32, #tpu.memory_space<hbm>> -> memref<1x128xi32, #tpu.memory_space<hbm>>
        %dma_start3A_91 = arith.constant 0 : i32
        %dma_start3A_92 = tpu.memref_slice %arg3[%add3A_88, %dma_start3A_91] : memref<2500x128xi32, #tpu.memory_space<hbm>> -> memref<1x128xi32, #tpu.memory_space<hbm>>
        tpu.enqueue_dma source(%dma_start3A_92 : memref<1x128xi32, #tpu.memory_space<hbm>>) target(%arg10 : memref<1x128xi32, #tpu.memory_space<vmem>>) target_semaphore(%run_scoped3A : memref<!tpu.dma_semaphore, #tpu.memory_space<semaphore_mem>>)
        %dma_wait3A = arith.constant 0 : i32
        %dma_wait3A_93 = tpu.memref_slice %arg3[%add3A_88, %dma_wait3A] : memref<2500x128xi32, #tpu.memory_space<hbm>> -> memref<1x128xi32, #tpu.memory_space<hbm>>
        %dma_wait3A_94 = arith.constant 0 : i32
        %dma_wait3A_95 = tpu.memref_slice %arg3[%add3A_88, %dma_wait3A_94] : memref<2500x128xi32, #tpu.memory_space<hbm>> -> memref<1x128xi32, #tpu.memory_space<hbm>>
        tpu.wait_dma2 semaphore(%run_scoped3A : memref<!tpu.dma_semaphore, #tpu.memory_space<semaphore_mem>>) src(%dma_wait3A_95 : memref<1x128xi32, #tpu.memory_space<hbm>>) dst(%arg10 : memref<1x128xi32, #tpu.memory_space<vmem>>)
        tpu.yield
      }) : () -> ()
    } else {
    }
    %barrier3A = arith.constant 0 : index
    tpu.barrier barrier_id(%barrier3A)
    %dma_start3A = arith.constant 0 : i32
    %dma_start3A_11 = arith.constant 0 : i32
    %dma_start3A_12 = arith.constant 0 : i32
    %dma_start3A_13 = arith.constant 0 : i32
    %dma_start3A_14 = arith.constant 0 : i32
    %dma_start3A_15 = tpu.memref_slice %arg11[%dma_start3A_11, %dma_start3A_13, %dma_start3A_14] : memref<8x128x64xf32, #tpu.memory_space<vmem>> -> memref<1x128x64xf32, #tpu.memory_space<vmem>>
    %dma_start3A_16 = tpu.memref_squeeze %dma_start3A_15 : memref<1x128x64xf32, #tpu.memory_space<vmem>> -> memref<128x64xf32, #tpu.memory_space<vmem>>
    %dma_start3A_17 = arith.constant 0 : i32
    %dma_start3A_18 = tpu.memref_slice %arg7[%dma_start3A, %dma_start3A_17] : memref<78x128xi32, #tpu.memory_space<vmem>> -> memref<1x128xi32, #tpu.memory_space<vmem>>
    %dma_start3A_19 = tpu.memref_squeeze %dma_start3A_18 : memref<1x128xi32, #tpu.memory_space<vmem>> -> memref<128xi32, #tpu.memory_space<vmem>>
    %dma_start3A_20 = arith.constant 0 : i32
    %dma_start3A_21 = arith.constant 0 : i32
    %dma_start3A_22 = tpu.memref_slice %arg4[%dma_start3A_20, %dma_start3A_21] : memref<10112x64xf32, #tpu.memory_space<hbm>> -> memref<10112x64xf32, #tpu.memory_space<hbm>>
    %dma_start3A_23 = tpu.memref_slice %arg13[%dma_start3A_12] : memref<8x!tpu.dma_semaphore, #tpu.memory_space<semaphore_mem>> -> memref<1x!tpu.dma_semaphore, #tpu.memory_space<semaphore_mem>>
    %dma_start3A_24 = tpu.memref_squeeze %dma_start3A_23 : memref<1x!tpu.dma_semaphore, #tpu.memory_space<semaphore_mem>> -> memref<!tpu.dma_semaphore, #tpu.memory_space<semaphore_mem>>
    tpu.enqueue_indirect_dma source(%dma_start3A_22 : memref<10112x64xf32, #tpu.memory_space<hbm>>) target(%dma_start3A_16 : memref<128x64xf32, #tpu.memory_space<vmem>>) offsets(%dma_start3A_19 : memref<128xi32, #tpu.memory_space<vmem>>) semaphore(%dma_start3A_24 : memref<!tpu.dma_semaphore, #tpu.memory_space<semaphore_mem>>)
    %dma_start3A_25 = arith.constant 1 : i32
    %dma_start3A_26 = arith.constant 1 : i32
    %dma_start3A_27 = arith.constant 1 : i32
    %dma_start3A_28 = arith.constant 0 : i32
    %dma_start3A_29 = arith.constant 0 : i32
    %dma_start3A_30 = tpu.memref_slice %arg11[%dma_start3A_26, %dma_start3A_28, %dma_start3A_29] : memref<8x128x64xf32, #tpu.memory_space<vmem>> -> memref<1x128x64xf32, #tpu.memory_space<vmem>>
    %dma_start3A_31 = tpu.memref_squeeze %dma_start3A_30 : memref<1x128x64xf32, #tpu.memory_space<vmem>> -> memref<128x64xf32, #tpu.memory_space<vmem>>
    %dma_start3A_32 = arith.constant 0 : i32
    %dma_start3A_33 = tpu.memref_slice %arg7[%dma_start3A_25, %dma_start3A_32] : memref<78x128xi32, #tpu.memory_space<vmem>> -> memref<1x128xi32, #tpu.memory_space<vmem>>
    %dma_start3A_34 = tpu.memref_squeeze %dma_start3A_33 : memref<1x128xi32, #tpu.memory_space<vmem>> -> memref<128xi32, #tpu.memory_space<vmem>>
    %dma_start3A_35 = arith.constant 0 : i32
    %dma_start3A_36 = arith.constant 0 : i32
    %dma_start3A_37 = tpu.memref_slice %arg4[%dma_start3A_35, %dma_start3A_36] : memref<10112x64xf32, #tpu.memory_space<hbm>> -> memref<10112x64xf32, #tpu.memory_space<hbm>>
    %dma_start3A_38 = tpu.memref_slice %arg13[%dma_start3A_27] : memref<8x!tpu.dma_semaphore, #tpu.memory_space<semaphore_mem>> -> memref<1x!tpu.dma_semaphore, #tpu.memory_space<semaphore_mem>>
    %dma_start3A_39 = tpu.memref_squeeze %dma_start3A_38 : memref<1x!tpu.dma_semaphore, #tpu.memory_space<semaphore_mem>> -> memref<!tpu.dma_semaphore, #tpu.memory_space<semaphore_mem>>
    tpu.enqueue_indirect_dma source(%dma_start3A_37 : memref<10112x64xf32, #tpu.memory_space<hbm>>) target(%dma_start3A_31 : memref<128x64xf32, #tpu.memory_space<vmem>>) offsets(%dma_start3A_34 : memref<128xi32, #tpu.memory_space<vmem>>) semaphore(%dma_start3A_39 : memref<!tpu.dma_semaphore, #tpu.memory_space<semaphore_mem>>)
    %dma_start3A_40 = arith.constant 2 : i32
    %dma_start3A_41 = arith.constant 2 : i32
    %dma_start3A_42 = arith.constant 2 : i32
    %dma_start3A_43 = arith.constant 0 : i32
    %dma_start3A_44 = arith.constant 0 : i32
    %dma_start3A_45 = tpu.memref_slice %arg11[%dma_start3A_41, %dma_start3A_43, %dma_start3A_44] : memref<8x128x64xf32, #tpu.memory_space<vmem>> -> memref<1x128x64xf32, #tpu.memory_space<vmem>>
    %dma_start3A_46 = tpu.memref_squeeze %dma_start3A_45 : memref<1x128x64xf32, #tpu.memory_space<vmem>> -> memref<128x64xf32, #tpu.memory_space<vmem>>
    %dma_start3A_47 = arith.constant 0 : i32
    %dma_start3A_48 = tpu.memref_slice %arg7[%dma_start3A_40, %dma_start3A_47] : memref<78x128xi32, #tpu.memory_space<vmem>> -> memref<1x128xi32, #tpu.memory_space<vmem>>
    %dma_start3A_49 = tpu.memref_squeeze %dma_start3A_48 : memref<1x128xi32, #tpu.memory_space<vmem>> -> memref<128xi32, #tpu.memory_space<vmem>>
    %dma_start3A_50 = arith.constant 0 : i32
    %dma_start3A_51 = arith.constant 0 : i32
    %dma_start3A_52 = tpu.memref_slice %arg4[%dma_start3A_50, %dma_start3A_51] : memref<10112x64xf32, #tpu.memory_space<hbm>> -> memref<10112x64xf32, #tpu.memory_space<hbm>>
    %dma_start3A_53 = tpu.memref_slice %arg13[%dma_start3A_42] : memref<8x!tpu.dma_semaphore, #tpu.memory_space<semaphore_mem>> -> memref<1x!tpu.dma_semaphore, #tpu.memory_space<semaphore_mem>>
    %dma_start3A_54 = tpu.memref_squeeze %dma_start3A_53 : memref<1x!tpu.dma_semaphore, #tpu.memory_space<semaphore_mem>> -> memref<!tpu.dma_semaphore, #tpu.memory_space<semaphore_mem>>
    tpu.enqueue_indirect_dma source(%dma_start3A_52 : memref<10112x64xf32, #tpu.memory_space<hbm>>) target(%dma_start3A_46 : memref<128x64xf32, #tpu.memory_space<vmem>>) offsets(%dma_start3A_49 : memref<128xi32, #tpu.memory_space<vmem>>) semaphore(%dma_start3A_54 : memref<!tpu.dma_semaphore, #tpu.memory_space<semaphore_mem>>)
    %dma_start3A_55 = arith.constant 3 : i32
    %dma_start3A_56 = arith.constant 3 : i32
    %dma_start3A_57 = arith.constant 3 : i32
    %dma_start3A_58 = arith.constant 0 : i32
    %dma_start3A_59 = arith.constant 0 : i32
    %dma_start3A_60 = tpu.memref_slice %arg11[%dma_start3A_56, %dma_start3A_58, %dma_start3A_59] : memref<8x128x64xf32, #tpu.memory_space<vmem>> -> memref<1x128x64xf32, #tpu.memory_space<vmem>>
    %dma_start3A_61 = tpu.memref_squeeze %dma_start3A_60 : memref<1x128x64xf32, #tpu.memory_space<vmem>> -> memref<128x64xf32, #tpu.memory_space<vmem>>
    %dma_start3A_62 = arith.constant 0 : i32
    %dma_start3A_63 = tpu.memref_slice %arg7[%dma_start3A_55, %dma_start3A_62] : memref<78x128xi32, #tpu.memory_space<vmem>> -> memref<1x128xi32, #tpu.memory_space<vmem>>
    %dma_start3A_64 = tpu.memref_squeeze %dma_start3A_63 : memref<1x128xi32, #tpu.memory_space<vmem>> -> memref<128xi32, #tpu.memory_space<vmem>>
    %dma_start3A_65 = arith.constant 0 : i32
    %dma_start3A_66 = arith.constant 0 : i32
    %dma_start3A_67 = tpu.memref_slice %arg4[%dma_start3A_65, %dma_start3A_66] : memref<10112x64xf32, #tpu.memory_space<hbm>> -> memref<10112x64xf32, #tpu.memory_space<hbm>>
    %dma_start3A_68 = tpu.memref_slice %arg13[%dma_start3A_57] : memref<8x!tpu.dma_semaphore, #tpu.memory_space<semaphore_mem>> -> memref<1x!tpu.dma_semaphore, #tpu.memory_space<semaphore_mem>>
    %dma_start3A_69 = tpu.memref_squeeze %dma_start3A_68 : memref<1x!tpu.dma_semaphore, #tpu.memory_space<semaphore_mem>> -> memref<!tpu.dma_semaphore, #tpu.memory_space<semaphore_mem>>
    tpu.enqueue_indirect_dma source(%dma_start3A_67 : memref<10112x64xf32, #tpu.memory_space<hbm>>) target(%dma_start3A_61 : memref<128x64xf32, #tpu.memory_space<vmem>>) offsets(%dma_start3A_64 : memref<128xi32, #tpu.memory_space<vmem>>) semaphore(%dma_start3A_69 : memref<!tpu.dma_semaphore, #tpu.memory_space<semaphore_mem>>)
    %scan3A = arith.constant 0 : i32
    %scan3A_70 = arith.constant 0 : i32
    %scan3A_71 = arith.constant 78 : i32
    %scan3A_72 = arith.addi %scan3A_70, %scan3A_71 : i32
    %scan3A_73 = arith.constant 1 : i32
    scf.for %scan3A_85 = %scan3A_70 to %scan3A_72 step %scan3A_73  : i32 {
      %add3A_86 = arith.constant 4 : i32
      %add3A_87 = arith.addi %scan3A_85, %add3A_86 : i32
      %rem3A = arith.constant 8 : i32
      %rem3A_88 = arith.remsi %add3A_87, %rem3A : i32
      %lt3A_89 = arith.constant 78 : i32
      %lt3A_90 = arith.cmpi slt, %add3A_87, %lt3A_89 : i32
      %convert_element_type3A_91 = arith.extui %lt3A_90 : i1 to i32
      %cond3A_92 = arith.constant 0 : i32
      %cond3A_93 = arith.cmpi ne, %convert_element_type3A_91, %cond3A_92 : i32
      scf.if %cond3A_93 {
        %dma_start3A_107 = arith.constant 0 : i32
        %dma_start3A_108 = arith.constant 0 : i32
        %dma_start3A_109 = tpu.memref_slice %arg11[%rem3A_88, %dma_start3A_107, %dma_start3A_108] : memref<8x128x64xf32, #tpu.memory_space<vmem>> -> memref<1x128x64xf32, #tpu.memory_space<vmem>>
        %dma_start3A_110 = tpu.memref_squeeze %dma_start3A_109 : memref<1x128x64xf32, #tpu.memory_space<vmem>> -> memref<128x64xf32, #tpu.memory_space<vmem>>
        %dma_start3A_111 = arith.constant 0 : i32
        %dma_start3A_112 = tpu.memref_slice %arg7[%add3A_87, %dma_start3A_111] : memref<78x128xi32, #tpu.memory_space<vmem>> -> memref<1x128xi32, #tpu.memory_space<vmem>>
        %dma_start3A_113 = tpu.memref_squeeze %dma_start3A_112 : memref<1x128xi32, #tpu.memory_space<vmem>> -> memref<128xi32, #tpu.memory_space<vmem>>
        %dma_start3A_114 = arith.constant 0 : i32
        %dma_start3A_115 = arith.constant 0 : i32
        %dma_start3A_116 = tpu.memref_slice %arg4[%dma_start3A_114, %dma_start3A_115] : memref<10112x64xf32, #tpu.memory_space<hbm>> -> memref<10112x64xf32, #tpu.memory_space<hbm>>
        %dma_start3A_117 = tpu.memref_slice %arg13[%rem3A_88] : memref<8x!tpu.dma_semaphore, #tpu.memory_space<semaphore_mem>> -> memref<1x!tpu.dma_semaphore, #tpu.memory_space<semaphore_mem>>
        %dma_start3A_118 = tpu.memref_squeeze %dma_start3A_117 : memref<1x!tpu.dma_semaphore, #tpu.memory_space<semaphore_mem>> -> memref<!tpu.dma_semaphore, #tpu.memory_space<semaphore_mem>>
        tpu.enqueue_indirect_dma source(%dma_start3A_116 : memref<10112x64xf32, #tpu.memory_space<hbm>>) target(%dma_start3A_110 : memref<128x64xf32, #tpu.memory_space<vmem>>) offsets(%dma_start3A_113 : memref<128xi32, #tpu.memory_space<vmem>>) semaphore(%dma_start3A_118 : memref<!tpu.dma_semaphore, #tpu.memory_space<semaphore_mem>>)
      } else {
      }
      %rem3A_94 = arith.constant 8 : i32
      %rem3A_95 = arith.remsi %scan3A_85, %rem3A_94 : i32
      %dma_wait3A = arith.constant 0 : i32
      %dma_wait3A_96 = arith.constant 0 : i32
      %dma_wait3A_97 = tpu.memref_slice %arg11[%rem3A_95, %dma_wait3A, %dma_wait3A_96] : memref<8x128x64xf32, #tpu.memory_space<vmem>> -> memref<1x128x64xf32, #tpu.memory_space<vmem>>
      %dma_wait3A_98 = tpu.memref_squeeze %dma_wait3A_97 : memref<1x128x64xf32, #tpu.memory_space<vmem>> -> memref<128x64xf32, #tpu.memory_space<vmem>>
      %dma_wait3A_99 = arith.constant 0 : i32
      %dma_wait3A_100 = tpu.memref_slice %arg7[%scan3A_85, %dma_wait3A_99] : memref<78x128xi32, #tpu.memory_space<vmem>> -> memref<1x128xi32, #tpu.memory_space<vmem>>
      %dma_wait3A_101 = tpu.memref_squeeze %dma_wait3A_100 : memref<1x128xi32, #tpu.memory_space<vmem>> -> memref<128xi32, #tpu.memory_space<vmem>>
      %dma_wait3A_102 = arith.constant 0 : i32
      %dma_wait3A_103 = arith.constant 0 : i32
      %dma_wait3A_104 = tpu.memref_slice %arg4[%dma_wait3A_102, %dma_wait3A_103] : memref<10112x64xf32, #tpu.memory_space<hbm>> -> memref<10112x64xf32, #tpu.memory_space<hbm>>
      %dma_wait3A_105 = tpu.memref_slice %arg13[%rem3A_95] : memref<8x!tpu.dma_semaphore, #tpu.memory_space<semaphore_mem>> -> memref<1x!tpu.dma_semaphore, #tpu.memory_space<semaphore_mem>>
      %dma_wait3A_106 = tpu.memref_squeeze %dma_wait3A_105 : memref<1x!tpu.dma_semaphore, #tpu.memory_space<semaphore_mem>> -> memref<!tpu.dma_semaphore, #tpu.memory_space<semaphore_mem>>
      tpu.wait_indirect_dma semaphore(%dma_wait3A_106 : memref<!tpu.dma_semaphore, #tpu.memory_space<semaphore_mem>>) src(%dma_wait3A_104 : memref<10112x64xf32, #tpu.memory_space<hbm>>) dst(%dma_wait3A_98 : memref<128x64xf32, #tpu.memory_space<vmem>>)
      "tpu.region"() ({
        %run_scoped3A = tpu.sem_alloc : memref<!tpu.dma_semaphore, #tpu.memory_space<semaphore_mem>>
        %dma_start3A_107 = arith.constant 0 : i32
        %dma_start3A_108 = arith.constant 0 : i32
        %dma_start3A_109 = tpu.memref_slice %arg11[%rem3A_95, %dma_start3A_107, %dma_start3A_108] : memref<8x128x64xf32, #tpu.memory_space<vmem>> -> memref<1x128x64xf32, #tpu.memory_space<vmem>>
        %dma_start3A_110 = tpu.memref_squeeze %dma_start3A_109 : memref<1x128x64xf32, #tpu.memory_space<vmem>> -> memref<128x64xf32, #tpu.memory_space<vmem>>
        %dma_start3A_111 = arith.constant 0 : i32
        %dma_start3A_112 = tpu.memref_slice %arg8[%scan3A_85, %dma_start3A_111] : memref<78x128xi32, #tpu.memory_space<vmem>> -> memref<1x128xi32, #tpu.memory_space<vmem>>
        %dma_start3A_113 = tpu.memref_squeeze %dma_start3A_112 : memref<1x128xi32, #tpu.memory_space<vmem>> -> memref<128xi32, #tpu.memory_space<vmem>>
        %dma_start3A_114 = arith.constant 0 : i32
        %dma_start3A_115 = arith.constant 0 : i32
        %dma_start3A_116 = tpu.memref_slice %arg12[%dma_start3A_114, %dma_start3A_115] : memref<10112x64xf32, #tpu.memory_space<vmem_shared>> -> memref<10112x64xf32, #tpu.memory_space<vmem_shared>>
        tpu.enqueue_indirect_dma source(%dma_start3A_110 : memref<128x64xf32, #tpu.memory_space<vmem>>) target(%dma_start3A_116 : memref<10112x64xf32, #tpu.memory_space<vmem_shared>>) offsets(%dma_start3A_113 : memref<128xi32, #tpu.memory_space<vmem>>) semaphore(%run_scoped3A : memref<!tpu.dma_semaphore, #tpu.memory_space<semaphore_mem>>) {add = true}
        %dma_wait3A_117 = arith.constant 0 : i32
        %dma_wait3A_118 = arith.constant 0 : i32
        %dma_wait3A_119 = tpu.memref_slice %arg11[%rem3A_95, %dma_wait3A_117, %dma_wait3A_118] : memref<8x128x64xf32, #tpu.memory_space<vmem>> -> memref<1x128x64xf32, #tpu.memory_space<vmem>>
        %dma_wait3A_120 = tpu.memref_squeeze %dma_wait3A_119 : memref<1x128x64xf32, #tpu.memory_space<vmem>> -> memref<128x64xf32, #tpu.memory_space<vmem>>
        %dma_wait3A_121 = arith.constant 0 : i32
        %dma_wait3A_122 = tpu.memref_slice %arg8[%scan3A_85, %dma_wait3A_121] : memref<78x128xi32, #tpu.memory_space<vmem>> -> memref<1x128xi32, #tpu.memory_space<vmem>>
        %dma_wait3A_123 = tpu.memref_squeeze %dma_wait3A_122 : memref<1x128xi32, #tpu.memory_space<vmem>> -> memref<128xi32, #tpu.memory_space<vmem>>
        %dma_wait3A_124 = arith.constant 0 : i32
        %dma_wait3A_125 = arith.constant 0 : i32
        %dma_wait3A_126 = tpu.memref_slice %arg12[%dma_wait3A_124, %dma_wait3A_125] : memref<10112x64xf32, #tpu.memory_space<vmem_shared>> -> memref<10112x64xf32, #tpu.memory_space<vmem_shared>>
        tpu.wait_indirect_dma semaphore(%run_scoped3A : memref<!tpu.dma_semaphore, #tpu.memory_space<semaphore_mem>>) src(%dma_wait3A_120 : memref<128x64xf32, #tpu.memory_space<vmem>>) dst(%dma_wait3A_126 : memref<10112x64xf32, #tpu.memory_space<vmem_shared>>)
        tpu.yield
      }) : () -> ()
    }
    %scan3A_74 = arith.constant 78 : i32
    %lt3A_75 = arith.constant 4 : i32
    %lt3A_76 = arith.cmpi slt, %add3A, %lt3A_75 : i32
    %convert_element_type3A_77 = arith.extui %lt3A_76 : i1 to i32
    %cond3A_78 = arith.constant 0 : i32
    %cond3A_79 = arith.cmpi ne, %convert_element_type3A_77, %cond3A_78 : i32
    scf.if %cond3A_79 {
      %run_scoped3A = arith.constant 0 : i32
      %run_scoped3A_85 = arith.constant 0 : i32
      "tpu.region"() ({
        %run_scoped3A_88 = tpu.sem_alloc : memref<!tpu.dma_semaphore, #tpu.memory_space<semaphore_mem>>
        %dma_start3A_89 = arith.constant 0 : i32
        %dma_start3A_90 = arith.constant 0 : i32
        %dma_start3A_91 = tpu.memref_slice %arg11[%run_scoped3A_85, %dma_start3A_89, %dma_start3A_90] : memref<8x128x64xf32, #tpu.memory_space<vmem>> -> memref<1x128x64xf32, #tpu.memory_space<vmem>>
        %dma_start3A_92 = tpu.memref_squeeze %dma_start3A_91 : memref<1x128x64xf32, #tpu.memory_space<vmem>> -> memref<128x64xf32, #tpu.memory_space<vmem>>
        %dma_start3A_93 = arith.constant 0 : i32
        %dma_start3A_94 = tpu.memref_slice %arg9[%run_scoped3A, %dma_start3A_93] : memref<1x128xi32, #tpu.memory_space<vmem>> -> memref<1x128xi32, #tpu.memory_space<vmem>>
        %dma_start3A_95 = tpu.memref_squeeze %dma_start3A_94 : memref<1x128xi32, #tpu.memory_space<vmem>> -> memref<128xi32, #tpu.memory_space<vmem>>
        %dma_start3A_96 = arith.constant 0 : i32
        %dma_start3A_97 = arith.constant 0 : i32
        %dma_start3A_98 = tpu.memref_slice %arg4[%dma_start3A_96, %dma_start3A_97] : memref<10112x64xf32, #tpu.memory_space<hbm>> -> memref<10112x64xf32, #tpu.memory_space<hbm>>
        tpu.enqueue_indirect_dma source(%dma_start3A_98 : memref<10112x64xf32, #tpu.memory_space<hbm>>) target(%dma_start3A_92 : memref<128x64xf32, #tpu.memory_space<vmem>>) offsets(%dma_start3A_95 : memref<128xi32, #tpu.memory_space<vmem>>) semaphore(%run_scoped3A_88 : memref<!tpu.dma_semaphore, #tpu.memory_space<semaphore_mem>>)
        %dma_wait3A = arith.constant 0 : i32
        %dma_wait3A_99 = arith.constant 0 : i32
        %dma_wait3A_100 = tpu.memref_slice %arg11[%run_scoped3A_85, %dma_wait3A, %dma_wait3A_99] : memref<8x128x64xf32, #tpu.memory_space<vmem>> -> memref<1x128x64xf32, #tpu.memory_space<vmem>>
        %dma_wait3A_101 = tpu.memref_squeeze %dma_wait3A_100 : memref<1x128x64xf32, #tpu.memory_space<vmem>> -> memref<128x64xf32, #tpu.memory_space<vmem>>
        %dma_wait3A_102 = arith.constant 0 : i32
        %dma_wait3A_103 = tpu.memref_slice %arg9[%run_scoped3A, %dma_wait3A_102] : memref<1x128xi32, #tpu.memory_space<vmem>> -> memref<1x128xi32, #tpu.memory_space<vmem>>
        %dma_wait3A_104 = tpu.memref_squeeze %dma_wait3A_103 : memref<1x128xi32, #tpu.memory_space<vmem>> -> memref<128xi32, #tpu.memory_space<vmem>>
        %dma_wait3A_105 = arith.constant 0 : i32
        %dma_wait3A_106 = arith.constant 0 : i32
        %dma_wait3A_107 = tpu.memref_slice %arg4[%dma_wait3A_105, %dma_wait3A_106] : memref<10112x64xf32, #tpu.memory_space<hbm>> -> memref<10112x64xf32, #tpu.memory_space<hbm>>
        tpu.wait_indirect_dma semaphore(%run_scoped3A_88 : memref<!tpu.dma_semaphore, #tpu.memory_space<semaphore_mem>>) src(%dma_wait3A_107 : memref<10112x64xf32, #tpu.memory_space<hbm>>) dst(%dma_wait3A_101 : memref<128x64xf32, #tpu.memory_space<vmem>>)
        tpu.yield
      }) : () -> ()
      %run_scoped3A_86 = arith.constant 0 : i32
      %run_scoped3A_87 = arith.constant 0 : i32
      "tpu.region"() ({
        %run_scoped3A_88 = tpu.sem_alloc : memref<!tpu.dma_semaphore, #tpu.memory_space<semaphore_mem>>
        %dma_start3A_89 = arith.constant 0 : i32
        %dma_start3A_90 = arith.constant 0 : i32
        %dma_start3A_91 = tpu.memref_slice %arg11[%run_scoped3A_86, %dma_start3A_89, %dma_start3A_90] : memref<8x128x64xf32, #tpu.memory_space<vmem>> -> memref<1x128x64xf32, #tpu.memory_space<vmem>>
        %dma_start3A_92 = tpu.memref_squeeze %dma_start3A_91 : memref<1x128x64xf32, #tpu.memory_space<vmem>> -> memref<128x64xf32, #tpu.memory_space<vmem>>
        %dma_start3A_93 = arith.constant 0 : i32
        %dma_start3A_94 = tpu.memref_slice %arg10[%run_scoped3A_87, %dma_start3A_93] : memref<1x128xi32, #tpu.memory_space<vmem>> -> memref<1x128xi32, #tpu.memory_space<vmem>>
        %dma_start3A_95 = tpu.memref_squeeze %dma_start3A_94 : memref<1x128xi32, #tpu.memory_space<vmem>> -> memref<128xi32, #tpu.memory_space<vmem>>
        %dma_start3A_96 = arith.constant 0 : i32
        %dma_start3A_97 = arith.constant 0 : i32
        %dma_start3A_98 = tpu.memref_slice %arg12[%dma_start3A_96, %dma_start3A_97] : memref<10112x64xf32, #tpu.memory_space<vmem_shared>> -> memref<10112x64xf32, #tpu.memory_space<vmem_shared>>
        tpu.enqueue_indirect_dma source(%dma_start3A_92 : memref<128x64xf32, #tpu.memory_space<vmem>>) target(%dma_start3A_98 : memref<10112x64xf32, #tpu.memory_space<vmem_shared>>) offsets(%dma_start3A_95 : memref<128xi32, #tpu.memory_space<vmem>>) semaphore(%run_scoped3A_88 : memref<!tpu.dma_semaphore, #tpu.memory_space<semaphore_mem>>) {add = true}
        %dma_wait3A = arith.constant 0 : i32
        %dma_wait3A_99 = arith.constant 0 : i32
        %dma_wait3A_100 = tpu.memref_slice %arg11[%run_scoped3A_86, %dma_wait3A, %dma_wait3A_99] : memref<8x128x64xf32, #tpu.memory_space<vmem>> -> memref<1x128x64xf32, #tpu.memory_space<vmem>>
        %dma_wait3A_101 = tpu.memref_squeeze %dma_wait3A_100 : memref<1x128x64xf32, #tpu.memory_space<vmem>> -> memref<128x64xf32, #tpu.memory_space<vmem>>
        %dma_wait3A_102 = arith.constant 0 : i32
        %dma_wait3A_103 = tpu.memref_slice %arg10[%run_scoped3A_87, %dma_wait3A_102] : memref<1x128xi32, #tpu.memory_space<vmem>> -> memref<1x128xi32, #tpu.memory_space<vmem>>
        %dma_wait3A_104 = tpu.memref_squeeze %dma_wait3A_103 : memref<1x128xi32, #tpu.memory_space<vmem>> -> memref<128xi32, #tpu.memory_space<vmem>>
        %dma_wait3A_105 = arith.constant 0 : i32
        %dma_wait3A_106 = arith.constant 0 : i32
        %dma_wait3A_107 = tpu.memref_slice %arg12[%dma_wait3A_105, %dma_wait3A_106] : memref<10112x64xf32, #tpu.memory_space<vmem_shared>> -> memref<10112x64xf32, #tpu.memory_space<vmem_shared>>
        tpu.wait_indirect_dma semaphore(%run_scoped3A_88 : memref<!tpu.dma_semaphore, #tpu.memory_space<semaphore_mem>>) src(%dma_wait3A_101 : memref<128x64xf32, #tpu.memory_space<vmem>>) dst(%dma_wait3A_107 : memref<10112x64xf32, #tpu.memory_space<vmem_shared>>)
        tpu.yield
      }) : () -> ()
    } else {
    }
    %barrier3A_80 = arith.constant 0 : index
    tpu.barrier barrier_id(%barrier3A_80)
    %mul3A_81 = arith.constant 632 : i32
    %mul3A_82 = arith.muli %arg1, %mul3A_81 : i32
    %mul3A_83 = arith.constant 632 : i32
    %mul3A_84 = arith.muli %arg1, %mul3A_83 : i32
    "tpu.region"() ({
      %run_scoped3A = tpu.sem_alloc : memref<!tpu.dma_semaphore, #tpu.memory_space<semaphore_mem>>
      %dma_start3A_85 = arith.constant 0 : i32
      %dma_start3A_86 = tpu.memref_slice %arg6[%arg0, %mul3A_84, %dma_start3A_85] : memref<2x10112x64xf32, #tpu.memory_space<hbm>> -> memref<1x632x64xf32, #tpu.memory_space<hbm>>
      %dma_start3A_87 = tpu.memref_squeeze %dma_start3A_86 : memref<1x632x64xf32, #tpu.memory_space<hbm>> -> memref<632x64xf32, #tpu.memory_space<hbm>>
      %dma_start3A_88 = arith.constant 0 : i32
      %dma_start3A_89 = tpu.memref_slice %arg12[%mul3A_82, %dma_start3A_88] : memref<10112x64xf32, #tpu.memory_space<vmem_shared>> -> memref<632x64xf32, #tpu.memory_space<vmem_shared>>
      tpu.enqueue_dma source(%dma_start3A_89 : memref<632x64xf32, #tpu.memory_space<vmem_shared>>) target(%dma_start3A_87 : memref<632x64xf32, #tpu.memory_space<hbm>>) target_semaphore(%run_scoped3A : memref<!tpu.dma_semaphore, #tpu.memory_space<semaphore_mem>>)
      %dma_wait3A = arith.constant 0 : i32
      %dma_wait3A_90 = tpu.memref_slice %arg6[%arg0, %mul3A_84, %dma_wait3A] : memref<2x10112x64xf32, #tpu.memory_space<hbm>> -> memref<1x632x64xf32, #tpu.memory_space<hbm>>
      %dma_wait3A_91 = tpu.memref_squeeze %dma_wait3A_90 : memref<1x632x64xf32, #tpu.memory_space<hbm>> -> memref<632x64xf32, #tpu.memory_space<hbm>>
      %dma_wait3A_92 = arith.constant 0 : i32
      %dma_wait3A_93 = tpu.memref_slice %arg12[%mul3A_82, %dma_wait3A_92] : memref<10112x64xf32, #tpu.memory_space<vmem_shared>> -> memref<632x64xf32, #tpu.memory_space<vmem_shared>>
      tpu.wait_dma2 semaphore(%run_scoped3A : memref<!tpu.dma_semaphore, #tpu.memory_space<semaphore_mem>>) src(%dma_wait3A_93 : memref<632x64xf32, #tpu.memory_space<vmem_shared>>) dst(%dma_wait3A_91 : memref<632x64xf32, #tpu.memory_space<hbm>>)
      tpu.yield
    }) : () -> ()
    return
  }
}

#map = affine_map<(d0, d1) -> (0, 0)>
#map1 = affine_map<(d0, d1) -> (0, 0, 0)>
module attributes {stable_mosaic.version = 14 : i64} {
  func.func @deg(%arg0: i32, %arg1: i32, %arg2: memref<2500x128xi32, #tpu.memory_space<hbm>>, %arg3: memref<128x8xf32, #tpu.memory_space<hbm>>, %arg4: memref<10112x8xf32, #tpu.memory_space<hbm>>, %arg5: memref<2x10112x8xf32, #tpu.memory_space<hbm>>, %arg6: memref<78x128xi32, #tpu.memory_space<vmem>>, %arg7: memref<1x128xi32, #tpu.memory_space<vmem>>, %arg8: memref<128x8xf32, #tpu.memory_space<vmem>>, %arg9: memref<10112x8xf32, #tpu.memory_space<vmem_shared>>) attributes {dimension_semantics = [#tpu.dimension_semantics<core_parallel>, #tpu.dimension_semantics<subcore_parallel>], iteration_bounds = array<i64: 2, 16>, scalar_prefetch = 0 : i64, scratch_operands = 4 : i64, tpu.core_type = #tpu.core_type<sc_vector_subcore>, window_params = [{transform_indices = #map}, {transform_indices = #map}, {transform_indices = #map}, {transform_indices = #map1}]} {
    %mul3A = arith.constant 16 : i32
    %mul3A_0 = arith.muli %arg0, %mul3A : i32
    %add3A = arith.addi %mul3A_0, %arg1 : i32
    %mul3A_1 = arith.constant 632 : i32
    %mul3A_2 = arith.muli %arg1, %mul3A_1 : i32
    %mul3A_3 = arith.constant 632 : i32
    %mul3A_4 = arith.muli %arg1, %mul3A_3 : i32
    "tpu.region"() ({
      %run_scoped3A = tpu.sem_alloc : memref<!tpu.dma_semaphore, #tpu.memory_space<semaphore_mem>>
      %dma_start3A = arith.constant 0 : i32
      %dma_start3A_24 = tpu.memref_slice %arg9[%mul3A_4, %dma_start3A] : memref<10112x8xf32, #tpu.memory_space<vmem_shared>> -> memref<632x8xf32, #tpu.memory_space<vmem_shared>>
      %dma_start3A_25 = arith.constant 0 : i32
      %dma_start3A_26 = tpu.memref_slice %arg4[%mul3A_2, %dma_start3A_25] : memref<10112x8xf32, #tpu.memory_space<hbm>> -> memref<632x8xf32, #tpu.memory_space<hbm>>
      tpu.enqueue_dma source(%dma_start3A_26 : memref<632x8xf32, #tpu.memory_space<hbm>>) target(%dma_start3A_24 : memref<632x8xf32, #tpu.memory_space<vmem_shared>>) target_semaphore(%run_scoped3A : memref<!tpu.dma_semaphore, #tpu.memory_space<semaphore_mem>>)
      %dma_wait3A = arith.constant 0 : i32
      %dma_wait3A_27 = tpu.memref_slice %arg9[%mul3A_4, %dma_wait3A] : memref<10112x8xf32, #tpu.memory_space<vmem_shared>> -> memref<632x8xf32, #tpu.memory_space<vmem_shared>>
      %dma_wait3A_28 = arith.constant 0 : i32
      %dma_wait3A_29 = tpu.memref_slice %arg4[%mul3A_2, %dma_wait3A_28] : memref<10112x8xf32, #tpu.memory_space<hbm>> -> memref<632x8xf32, #tpu.memory_space<hbm>>
      tpu.wait_dma2 semaphore(%run_scoped3A : memref<!tpu.dma_semaphore, #tpu.memory_space<semaphore_mem>>) src(%dma_wait3A_29 : memref<632x8xf32, #tpu.memory_space<hbm>>) dst(%dma_wait3A_27 : memref<632x8xf32, #tpu.memory_space<vmem_shared>>)
      tpu.yield
    }) : () -> ()
    %mul3A_5 = arith.constant 78 : i32
    %mul3A_6 = arith.muli %add3A, %mul3A_5 : i32
    "tpu.region"() ({
      %run_scoped3A = tpu.sem_alloc : memref<!tpu.dma_semaphore, #tpu.memory_space<semaphore_mem>>
      %dma_start3A = arith.constant 0 : i32
      %dma_start3A_24 = tpu.memref_slice %arg2[%mul3A_6, %dma_start3A] : memref<2500x128xi32, #tpu.memory_space<hbm>> -> memref<78x128xi32, #tpu.memory_space<hbm>>
      %dma_start3A_25 = arith.constant 0 : i32
      %dma_start3A_26 = tpu.memref_slice %arg2[%mul3A_6, %dma_start3A_25] : memref<2500x128xi32, #tpu.memory_space<hbm>> -> memref<78x128xi32, #tpu.memory_space<hbm>>
      tpu.enqueue_dma source(%dma_start3A_26 : memref<78x128xi32, #tpu.memory_space<hbm>>) target(%arg6 : memref<78x128xi32, #tpu.memory_space<vmem>>) target_semaphore(%run_scoped3A : memref<!tpu.dma_semaphore, #tpu.memory_space<semaphore_mem>>)
      %dma_wait3A = arith.constant 0 : i32
      %dma_wait3A_27 = tpu.memref_slice %arg2[%mul3A_6, %dma_wait3A] : memref<2500x128xi32, #tpu.memory_space<hbm>> -> memref<78x128xi32, #tpu.memory_space<hbm>>
      %dma_wait3A_28 = arith.constant 0 : i32
      %dma_wait3A_29 = tpu.memref_slice %arg2[%mul3A_6, %dma_wait3A_28] : memref<2500x128xi32, #tpu.memory_space<hbm>> -> memref<78x128xi32, #tpu.memory_space<hbm>>
      tpu.wait_dma2 semaphore(%run_scoped3A : memref<!tpu.dma_semaphore, #tpu.memory_space<semaphore_mem>>) src(%dma_wait3A_29 : memref<78x128xi32, #tpu.memory_space<hbm>>) dst(%arg6 : memref<78x128xi32, #tpu.memory_space<vmem>>)
      tpu.yield
    }) : () -> ()
    "tpu.region"() ({
      %run_scoped3A = tpu.sem_alloc : memref<!tpu.dma_semaphore, #tpu.memory_space<semaphore_mem>>
      tpu.enqueue_dma source(%arg3 : memref<128x8xf32, #tpu.memory_space<hbm>>) target(%arg8 : memref<128x8xf32, #tpu.memory_space<vmem>>) target_semaphore(%run_scoped3A : memref<!tpu.dma_semaphore, #tpu.memory_space<semaphore_mem>>)
      tpu.wait_dma2 semaphore(%run_scoped3A : memref<!tpu.dma_semaphore, #tpu.memory_space<semaphore_mem>>) src(%arg3 : memref<128x8xf32, #tpu.memory_space<hbm>>) dst(%arg8 : memref<128x8xf32, #tpu.memory_space<vmem>>)
      tpu.yield
    }) : () -> ()
    %lt3A = arith.constant 4 : i32
    %lt3A_7 = arith.cmpi slt, %add3A, %lt3A : i32
    %convert_element_type3A = arith.extui %lt3A_7 : i1 to i32
    %cond3A = arith.constant 0 : i32
    %cond3A_8 = arith.cmpi ne, %convert_element_type3A, %cond3A : i32
    scf.if %cond3A_8 {
      %add3A_24 = arith.constant 2496 : i32
      %add3A_25 = arith.addi %add3A_24, %add3A : i32
      "tpu.region"() ({
        %run_scoped3A = tpu.sem_alloc : memref<!tpu.dma_semaphore, #tpu.memory_space<semaphore_mem>>
        %dma_start3A = arith.constant 0 : i32
        %dma_start3A_26 = tpu.memref_slice %arg2[%add3A_25, %dma_start3A] : memref<2500x128xi32, #tpu.memory_space<hbm>> -> memref<1x128xi32, #tpu.memory_space<hbm>>
        %dma_start3A_27 = arith.constant 0 : i32
        %dma_start3A_28 = tpu.memref_slice %arg2[%add3A_25, %dma_start3A_27] : memref<2500x128xi32, #tpu.memory_space<hbm>> -> memref<1x128xi32, #tpu.memory_space<hbm>>
        tpu.enqueue_dma source(%dma_start3A_28 : memref<1x128xi32, #tpu.memory_space<hbm>>) target(%arg7 : memref<1x128xi32, #tpu.memory_space<vmem>>) target_semaphore(%run_scoped3A : memref<!tpu.dma_semaphore, #tpu.memory_space<semaphore_mem>>)
        %dma_wait3A = arith.constant 0 : i32
        %dma_wait3A_29 = tpu.memref_slice %arg2[%add3A_25, %dma_wait3A] : memref<2500x128xi32, #tpu.memory_space<hbm>> -> memref<1x128xi32, #tpu.memory_space<hbm>>
        %dma_wait3A_30 = arith.constant 0 : i32
        %dma_wait3A_31 = tpu.memref_slice %arg2[%add3A_25, %dma_wait3A_30] : memref<2500x128xi32, #tpu.memory_space<hbm>> -> memref<1x128xi32, #tpu.memory_space<hbm>>
        tpu.wait_dma2 semaphore(%run_scoped3A : memref<!tpu.dma_semaphore, #tpu.memory_space<semaphore_mem>>) src(%dma_wait3A_31 : memref<1x128xi32, #tpu.memory_space<hbm>>) dst(%arg7 : memref<1x128xi32, #tpu.memory_space<vmem>>)
        tpu.yield
      }) : () -> ()
    } else {
    }
    %barrier3A = arith.constant 0 : index
    tpu.barrier barrier_id(%barrier3A)
    %scan3A = arith.constant 0 : i32
    %scan3A_9 = arith.constant 0 : i32
    %scan3A_10 = arith.constant 78 : i32
    %scan3A_11 = arith.addi %scan3A_9, %scan3A_10 : i32
    %scan3A_12 = arith.constant 1 : i32
    scf.for %scan3A_24 = %scan3A_9 to %scan3A_11 step %scan3A_12  : i32 {
      "tpu.region"() ({
        %run_scoped3A = tpu.sem_alloc : memref<!tpu.dma_semaphore, #tpu.memory_space<semaphore_mem>>
        %dma_start3A = arith.constant 0 : i32
        %dma_start3A_25 = tpu.memref_slice %arg6[%scan3A_24, %dma_start3A] : memref<78x128xi32, #tpu.memory_space<vmem>> -> memref<1x128xi32, #tpu.memory_space<vmem>>
        %dma_start3A_26 = tpu.memref_squeeze %dma_start3A_25 : memref<1x128xi32, #tpu.memory_space<vmem>> -> memref<128xi32, #tpu.memory_space<vmem>>
        %dma_start3A_27 = arith.constant 0 : i32
        %dma_start3A_28 = arith.constant 0 : i32
        %dma_start3A_29 = tpu.memref_slice %arg9[%dma_start3A_27, %dma_start3A_28] : memref<10112x8xf32, #tpu.memory_space<vmem_shared>> -> memref<10112x8xf32, #tpu.memory_space<vmem_shared>>
        tpu.enqueue_indirect_dma source(%arg8 : memref<128x8xf32, #tpu.memory_space<vmem>>) target(%dma_start3A_29 : memref<10112x8xf32, #tpu.memory_space<vmem_shared>>) offsets(%dma_start3A_26 : memref<128xi32, #tpu.memory_space<vmem>>) semaphore(%run_scoped3A : memref<!tpu.dma_semaphore, #tpu.memory_space<semaphore_mem>>) {add = true}
        %dma_wait3A = arith.constant 0 : i32
        %dma_wait3A_30 = tpu.memref_slice %arg6[%scan3A_24, %dma_wait3A] : memref<78x128xi32, #tpu.memory_space<vmem>> -> memref<1x128xi32, #tpu.memory_space<vmem>>
        %dma_wait3A_31 = tpu.memref_squeeze %dma_wait3A_30 : memref<1x128xi32, #tpu.memory_space<vmem>> -> memref<128xi32, #tpu.memory_space<vmem>>
        %dma_wait3A_32 = arith.constant 0 : i32
        %dma_wait3A_33 = arith.constant 0 : i32
        %dma_wait3A_34 = tpu.memref_slice %arg9[%dma_wait3A_32, %dma_wait3A_33] : memref<10112x8xf32, #tpu.memory_space<vmem_shared>> -> memref<10112x8xf32, #tpu.memory_space<vmem_shared>>
        tpu.wait_indirect_dma semaphore(%run_scoped3A : memref<!tpu.dma_semaphore, #tpu.memory_space<semaphore_mem>>) src(%arg8 : memref<128x8xf32, #tpu.memory_space<vmem>>) dst(%dma_wait3A_34 : memref<10112x8xf32, #tpu.memory_space<vmem_shared>>)
        tpu.yield
      }) : () -> ()
    }
    %scan3A_13 = arith.constant 78 : i32
    %lt3A_14 = arith.constant 4 : i32
    %lt3A_15 = arith.cmpi slt, %add3A, %lt3A_14 : i32
    %convert_element_type3A_16 = arith.extui %lt3A_15 : i1 to i32
    %cond3A_17 = arith.constant 0 : i32
    %cond3A_18 = arith.cmpi ne, %convert_element_type3A_16, %cond3A_17 : i32
    scf.if %cond3A_18 {
      %run_scoped3A = arith.constant 0 : i32
      "tpu.region"() ({
        %run_scoped3A_24 = tpu.sem_alloc : memref<!tpu.dma_semaphore, #tpu.memory_space<semaphore_mem>>
        %dma_start3A = arith.constant 0 : i32
        %dma_start3A_25 = tpu.memref_slice %arg7[%run_scoped3A, %dma_start3A] : memref<1x128xi32, #tpu.memory_space<vmem>> -> memref<1x128xi32, #tpu.memory_space<vmem>>
        %dma_start3A_26 = tpu.memref_squeeze %dma_start3A_25 : memref<1x128xi32, #tpu.memory_space<vmem>> -> memref<128xi32, #tpu.memory_space<vmem>>
        %dma_start3A_27 = arith.constant 0 : i32
        %dma_start3A_28 = arith.constant 0 : i32
        %dma_start3A_29 = tpu.memref_slice %arg9[%dma_start3A_27, %dma_start3A_28] : memref<10112x8xf32, #tpu.memory_space<vmem_shared>> -> memref<10112x8xf32, #tpu.memory_space<vmem_shared>>
        tpu.enqueue_indirect_dma source(%arg8 : memref<128x8xf32, #tpu.memory_space<vmem>>) target(%dma_start3A_29 : memref<10112x8xf32, #tpu.memory_space<vmem_shared>>) offsets(%dma_start3A_26 : memref<128xi32, #tpu.memory_space<vmem>>) semaphore(%run_scoped3A_24 : memref<!tpu.dma_semaphore, #tpu.memory_space<semaphore_mem>>) {add = true}
        %dma_wait3A = arith.constant 0 : i32
        %dma_wait3A_30 = tpu.memref_slice %arg7[%run_scoped3A, %dma_wait3A] : memref<1x128xi32, #tpu.memory_space<vmem>> -> memref<1x128xi32, #tpu.memory_space<vmem>>
        %dma_wait3A_31 = tpu.memref_squeeze %dma_wait3A_30 : memref<1x128xi32, #tpu.memory_space<vmem>> -> memref<128xi32, #tpu.memory_space<vmem>>
        %dma_wait3A_32 = arith.constant 0 : i32
        %dma_wait3A_33 = arith.constant 0 : i32
        %dma_wait3A_34 = tpu.memref_slice %arg9[%dma_wait3A_32, %dma_wait3A_33] : memref<10112x8xf32, #tpu.memory_space<vmem_shared>> -> memref<10112x8xf32, #tpu.memory_space<vmem_shared>>
        tpu.wait_indirect_dma semaphore(%run_scoped3A_24 : memref<!tpu.dma_semaphore, #tpu.memory_space<semaphore_mem>>) src(%arg8 : memref<128x8xf32, #tpu.memory_space<vmem>>) dst(%dma_wait3A_34 : memref<10112x8xf32, #tpu.memory_space<vmem_shared>>)
        tpu.yield
      }) : () -> ()
    } else {
    }
    %barrier3A_19 = arith.constant 0 : index
    tpu.barrier barrier_id(%barrier3A_19)
    %mul3A_20 = arith.constant 632 : i32
    %mul3A_21 = arith.muli %arg1, %mul3A_20 : i32
    %mul3A_22 = arith.constant 632 : i32
    %mul3A_23 = arith.muli %arg1, %mul3A_22 : i32
    "tpu.region"() ({
      %run_scoped3A = tpu.sem_alloc : memref<!tpu.dma_semaphore, #tpu.memory_space<semaphore_mem>>
      %dma_start3A = arith.constant 0 : i32
      %dma_start3A_24 = tpu.memref_slice %arg5[%arg0, %mul3A_23, %dma_start3A] : memref<2x10112x8xf32, #tpu.memory_space<hbm>> -> memref<1x632x8xf32, #tpu.memory_space<hbm>>
      %dma_start3A_25 = tpu.memref_squeeze %dma_start3A_24 : memref<1x632x8xf32, #tpu.memory_space<hbm>> -> memref<632x8xf32, #tpu.memory_space<hbm>>
      %dma_start3A_26 = arith.constant 0 : i32
      %dma_start3A_27 = tpu.memref_slice %arg9[%mul3A_21, %dma_start3A_26] : memref<10112x8xf32, #tpu.memory_space<vmem_shared>> -> memref<632x8xf32, #tpu.memory_space<vmem_shared>>
      tpu.enqueue_dma source(%dma_start3A_27 : memref<632x8xf32, #tpu.memory_space<vmem_shared>>) target(%dma_start3A_25 : memref<632x8xf32, #tpu.memory_space<hbm>>) target_semaphore(%run_scoped3A : memref<!tpu.dma_semaphore, #tpu.memory_space<semaphore_mem>>)
      %dma_wait3A = arith.constant 0 : i32
      %dma_wait3A_28 = tpu.memref_slice %arg5[%arg0, %mul3A_23, %dma_wait3A] : memref<2x10112x8xf32, #tpu.memory_space<hbm>> -> memref<1x632x8xf32, #tpu.memory_space<hbm>>
      %dma_wait3A_29 = tpu.memref_squeeze %dma_wait3A_28 : memref<1x632x8xf32, #tpu.memory_space<hbm>> -> memref<632x8xf32, #tpu.memory_space<hbm>>
      %dma_wait3A_30 = arith.constant 0 : i32
      %dma_wait3A_31 = tpu.memref_slice %arg9[%mul3A_21, %dma_wait3A_30] : memref<10112x8xf32, #tpu.memory_space<vmem_shared>> -> memref<632x8xf32, #tpu.memory_space<vmem_shared>>
      tpu.wait_dma2 semaphore(%run_scoped3A : memref<!tpu.dma_semaphore, #tpu.memory_space<semaphore_mem>>) src(%dma_wait3A_31 : memref<632x8xf32, #tpu.memory_space<vmem_shared>>) dst(%dma_wait3A_29 : memref<632x8xf32, #tpu.memory_space<hbm>>)
      tpu.yield
    }) : () -> ()
    return
  }
}

#map = affine_map<(d0, d1) -> (0, 0)>
#map1 = affine_map<(d0, d1) -> (0, 0, 0)>
module attributes {stable_mosaic.version = 14 : i64} {
  func.func @agg(%arg0: i32, %arg1: i32, %arg2: memref<2500x128xi32, #tpu.memory_space<hbm>>, %arg3: memref<2500x128xi32, #tpu.memory_space<hbm>>, %arg4: memref<10112x32xf32, #tpu.memory_space<hbm>>, %arg5: memref<10112x32xf32, #tpu.memory_space<hbm>>, %arg6: memref<2x10112x32xf32, #tpu.memory_space<hbm>>, %arg7: memref<78x128xi32, #tpu.memory_space<vmem>>, %arg8: memref<78x128xi32, #tpu.memory_space<vmem>>, %arg9: memref<1x128xi32, #tpu.memory_space<vmem>>, %arg10: memref<1x128xi32, #tpu.memory_space<vmem>>, %arg11: memref<8x128x32xf32, #tpu.memory_space<vmem>>, %arg12: memref<10112x32xf32, #tpu.memory_space<vmem_shared>>, %arg13: memref<8x!tpu.dma_semaphore, #tpu.memory_space<semaphore_mem>>) attributes {dimension_semantics = [#tpu.dimension_semantics<core_parallel>, #tpu.dimension_semantics<subcore_parallel>], iteration_bounds = array<i64: 2, 16>, scalar_prefetch = 0 : i64, scratch_operands = 7 : i64, tpu.core_type = #tpu.core_type<sc_vector_subcore>, window_params = [{transform_indices = #map}, {transform_indices = #map}, {transform_indices = #map}, {transform_indices = #map}, {transform_indices = #map1}]} {
    %mul3A = arith.constant 16 : i32
    %mul3A_0 = arith.muli %arg0, %mul3A : i32
    %add3A = arith.addi %mul3A_0, %arg1 : i32
    %mul3A_1 = arith.constant 632 : i32
    %mul3A_2 = arith.muli %arg1, %mul3A_1 : i32
    %mul3A_3 = arith.constant 632 : i32
    %mul3A_4 = arith.muli %arg1, %mul3A_3 : i32
    "tpu.region"() ({
      %run_scoped3A = tpu.sem_alloc : memref<!tpu.dma_semaphore, #tpu.memory_space<semaphore_mem>>
      %dma_start3A_85 = arith.constant 0 : i32
      %dma_start3A_86 = tpu.memref_slice %arg12[%mul3A_4, %dma_start3A_85] : memref<10112x32xf32, #tpu.memory_space<vmem_shared>> -> memref<632x32xf32, #tpu.memory_space<vmem_shared>>
      %dma_start3A_87 = arith.constant 0 : i32
      %dma_start3A_88 = tpu.memref_slice %arg5[%mul3A_2, %dma_start3A_87] : memref<10112x32xf32, #tpu.memory_space<hbm>> -> memref<632x32xf32, #tpu.memory_space<hbm>>
      tpu.enqueue_dma source(%dma_start3A_88 : memref<632x32xf32, #tpu.memory_space<hbm>>) target(%dma_start3A_86 : memref<632x32xf32, #tpu.memory_space<vmem_shared>>) target_semaphore(%run_scoped3A : memref<!tpu.dma_semaphore, #tpu.memory_space<semaphore_mem>>)
      %dma_wait3A = arith.constant 0 : i32
      %dma_wait3A_89 = tpu.memref_slice %arg12[%mul3A_4, %dma_wait3A] : memref<10112x32xf32, #tpu.memory_space<vmem_shared>> -> memref<632x32xf32, #tpu.memory_space<vmem_shared>>
      %dma_wait3A_90 = arith.constant 0 : i32
      %dma_wait3A_91 = tpu.memref_slice %arg5[%mul3A_2, %dma_wait3A_90] : memref<10112x32xf32, #tpu.memory_space<hbm>> -> memref<632x32xf32, #tpu.memory_space<hbm>>
      tpu.wait_dma2 semaphore(%run_scoped3A : memref<!tpu.dma_semaphore, #tpu.memory_space<semaphore_mem>>) src(%dma_wait3A_91 : memref<632x32xf32, #tpu.memory_space<hbm>>) dst(%dma_wait3A_89 : memref<632x32xf32, #tpu.memory_space<vmem_shared>>)
      tpu.yield
    }) : () -> ()
    %mul3A_5 = arith.constant 78 : i32
    %mul3A_6 = arith.muli %add3A, %mul3A_5 : i32
    "tpu.region"() ({
      %run_scoped3A = tpu.sem_alloc : memref<!tpu.dma_semaphore, #tpu.memory_space<semaphore_mem>>
      %dma_start3A_85 = arith.constant 0 : i32
      %dma_start3A_86 = tpu.memref_slice %arg2[%mul3A_6, %dma_start3A_85] : memref<2500x128xi32, #tpu.memory_space<hbm>> -> memref<78x128xi32, #tpu.memory_space<hbm>>
      %dma_start3A_87 = arith.constant 0 : i32
      %dma_start3A_88 = tpu.memref_slice %arg2[%mul3A_6, %dma_start3A_87] : memref<2500x128xi32, #tpu.memory_space<hbm>> -> memref<78x128xi32, #tpu.memory_space<hbm>>
      tpu.enqueue_dma source(%dma_start3A_88 : memref<78x128xi32, #tpu.memory_space<hbm>>) target(%arg7 : memref<78x128xi32, #tpu.memory_space<vmem>>) target_semaphore(%run_scoped3A : memref<!tpu.dma_semaphore, #tpu.memory_space<semaphore_mem>>)
      %dma_wait3A = arith.constant 0 : i32
      %dma_wait3A_89 = tpu.memref_slice %arg2[%mul3A_6, %dma_wait3A] : memref<2500x128xi32, #tpu.memory_space<hbm>> -> memref<78x128xi32, #tpu.memory_space<hbm>>
      %dma_wait3A_90 = arith.constant 0 : i32
      %dma_wait3A_91 = tpu.memref_slice %arg2[%mul3A_6, %dma_wait3A_90] : memref<2500x128xi32, #tpu.memory_space<hbm>> -> memref<78x128xi32, #tpu.memory_space<hbm>>
      tpu.wait_dma2 semaphore(%run_scoped3A : memref<!tpu.dma_semaphore, #tpu.memory_space<semaphore_mem>>) src(%dma_wait3A_91 : memref<78x128xi32, #tpu.memory_space<hbm>>) dst(%arg7 : memref<78x128xi32, #tpu.memory_space<vmem>>)
      tpu.yield
    }) : () -> ()
    %mul3A_7 = arith.constant 78 : i32
    %mul3A_8 = arith.muli %add3A, %mul3A_7 : i32
    "tpu.region"() ({
      %run_scoped3A = tpu.sem_alloc : memref<!tpu.dma_semaphore, #tpu.memory_space<semaphore_mem>>
      %dma_start3A_85 = arith.constant 0 : i32
      %dma_start3A_86 = tpu.memref_slice %arg3[%mul3A_8, %dma_start3A_85] : memref<2500x128xi32, #tpu.memory_space<hbm>> -> memref<78x128xi32, #tpu.memory_space<hbm>>
      %dma_start3A_87 = arith.constant 0 : i32
      %dma_start3A_88 = tpu.memref_slice %arg3[%mul3A_8, %dma_start3A_87] : memref<2500x128xi32, #tpu.memory_space<hbm>> -> memref<78x128xi32, #tpu.memory_space<hbm>>
      tpu.enqueue_dma source(%dma_start3A_88 : memref<78x128xi32, #tpu.memory_space<hbm>>) target(%arg8 : memref<78x128xi32, #tpu.memory_space<vmem>>) target_semaphore(%run_scoped3A : memref<!tpu.dma_semaphore, #tpu.memory_space<semaphore_mem>>)
      %dma_wait3A = arith.constant 0 : i32
      %dma_wait3A_89 = tpu.memref_slice %arg3[%mul3A_8, %dma_wait3A] : memref<2500x128xi32, #tpu.memory_space<hbm>> -> memref<78x128xi32, #tpu.memory_space<hbm>>
      %dma_wait3A_90 = arith.constant 0 : i32
      %dma_wait3A_91 = tpu.memref_slice %arg3[%mul3A_8, %dma_wait3A_90] : memref<2500x128xi32, #tpu.memory_space<hbm>> -> memref<78x128xi32, #tpu.memory_space<hbm>>
      tpu.wait_dma2 semaphore(%run_scoped3A : memref<!tpu.dma_semaphore, #tpu.memory_space<semaphore_mem>>) src(%dma_wait3A_91 : memref<78x128xi32, #tpu.memory_space<hbm>>) dst(%arg8 : memref<78x128xi32, #tpu.memory_space<vmem>>)
      tpu.yield
    }) : () -> ()
    %lt3A = arith.constant 4 : i32
    %lt3A_9 = arith.cmpi slt, %add3A, %lt3A : i32
    %convert_element_type3A = arith.extui %lt3A_9 : i1 to i32
    %cond3A = arith.constant 0 : i32
    %cond3A_10 = arith.cmpi ne, %convert_element_type3A, %cond3A : i32
    scf.if %cond3A_10 {
      %add3A_85 = arith.constant 2496 : i32
      %add3A_86 = arith.addi %add3A_85, %add3A : i32
      "tpu.region"() ({
        %run_scoped3A = tpu.sem_alloc : memref<!tpu.dma_semaphore, #tpu.memory_space<semaphore_mem>>
        %dma_start3A_89 = arith.constant 0 : i32
        %dma_start3A_90 = tpu.memref_slice %arg2[%add3A_86, %dma_start3A_89] : memref<2500x128xi32, #tpu.memory_space<hbm>> -> memref<1x128xi32, #tpu.memory_space<hbm>>
        %dma_start3A_91 = arith.constant 0 : i32
        %dma_start3A_92 = tpu.memref_slice %arg2[%add3A_86, %dma_start3A_91] : memref<2500x128xi32, #tpu.memory_space<hbm>> -> memref<1x128xi32, #tpu.memory_space<hbm>>
        tpu.enqueue_dma source(%dma_start3A_92 : memref<1x128xi32, #tpu.memory_space<hbm>>) target(%arg9 : memref<1x128xi32, #tpu.memory_space<vmem>>) target_semaphore(%run_scoped3A : memref<!tpu.dma_semaphore, #tpu.memory_space<semaphore_mem>>)
        %dma_wait3A = arith.constant 0 : i32
        %dma_wait3A_93 = tpu.memref_slice %arg2[%add3A_86, %dma_wait3A] : memref<2500x128xi32, #tpu.memory_space<hbm>> -> memref<1x128xi32, #tpu.memory_space<hbm>>
        %dma_wait3A_94 = arith.constant 0 : i32
        %dma_wait3A_95 = tpu.memref_slice %arg2[%add3A_86, %dma_wait3A_94] : memref<2500x128xi32, #tpu.memory_space<hbm>> -> memref<1x128xi32, #tpu.memory_space<hbm>>
        tpu.wait_dma2 semaphore(%run_scoped3A : memref<!tpu.dma_semaphore, #tpu.memory_space<semaphore_mem>>) src(%dma_wait3A_95 : memref<1x128xi32, #tpu.memory_space<hbm>>) dst(%arg9 : memref<1x128xi32, #tpu.memory_space<vmem>>)
        tpu.yield
      }) : () -> ()
      %add3A_87 = arith.constant 2496 : i32
      %add3A_88 = arith.addi %add3A_87, %add3A : i32
      "tpu.region"() ({
        %run_scoped3A = tpu.sem_alloc : memref<!tpu.dma_semaphore, #tpu.memory_space<semaphore_mem>>
        %dma_start3A_89 = arith.constant 0 : i32
        %dma_start3A_90 = tpu.memref_slice %arg3[%add3A_88, %dma_start3A_89] : memref<2500x128xi32, #tpu.memory_space<hbm>> -> memref<1x128xi32, #tpu.memory_space<hbm>>
        %dma_start3A_91 = arith.constant 0 : i32
        %dma_start3A_92 = tpu.memref_slice %arg3[%add3A_88, %dma_start3A_91] : memref<2500x128xi32, #tpu.memory_space<hbm>> -> memref<1x128xi32, #tpu.memory_space<hbm>>
        tpu.enqueue_dma source(%dma_start3A_92 : memref<1x128xi32, #tpu.memory_space<hbm>>) target(%arg10 : memref<1x128xi32, #tpu.memory_space<vmem>>) target_semaphore(%run_scoped3A : memref<!tpu.dma_semaphore, #tpu.memory_space<semaphore_mem>>)
        %dma_wait3A = arith.constant 0 : i32
        %dma_wait3A_93 = tpu.memref_slice %arg3[%add3A_88, %dma_wait3A] : memref<2500x128xi32, #tpu.memory_space<hbm>> -> memref<1x128xi32, #tpu.memory_space<hbm>>
        %dma_wait3A_94 = arith.constant 0 : i32
        %dma_wait3A_95 = tpu.memref_slice %arg3[%add3A_88, %dma_wait3A_94] : memref<2500x128xi32, #tpu.memory_space<hbm>> -> memref<1x128xi32, #tpu.memory_space<hbm>>
        tpu.wait_dma2 semaphore(%run_scoped3A : memref<!tpu.dma_semaphore, #tpu.memory_space<semaphore_mem>>) src(%dma_wait3A_95 : memref<1x128xi32, #tpu.memory_space<hbm>>) dst(%arg10 : memref<1x128xi32, #tpu.memory_space<vmem>>)
        tpu.yield
      }) : () -> ()
    } else {
    }
    %barrier3A = arith.constant 0 : index
    tpu.barrier barrier_id(%barrier3A)
    %dma_start3A = arith.constant 0 : i32
    %dma_start3A_11 = arith.constant 0 : i32
    %dma_start3A_12 = arith.constant 0 : i32
    %dma_start3A_13 = arith.constant 0 : i32
    %dma_start3A_14 = arith.constant 0 : i32
    %dma_start3A_15 = tpu.memref_slice %arg11[%dma_start3A_11, %dma_start3A_13, %dma_start3A_14] : memref<8x128x32xf32, #tpu.memory_space<vmem>> -> memref<1x128x32xf32, #tpu.memory_space<vmem>>
    %dma_start3A_16 = tpu.memref_squeeze %dma_start3A_15 : memref<1x128x32xf32, #tpu.memory_space<vmem>> -> memref<128x32xf32, #tpu.memory_space<vmem>>
    %dma_start3A_17 = arith.constant 0 : i32
    %dma_start3A_18 = tpu.memref_slice %arg7[%dma_start3A, %dma_start3A_17] : memref<78x128xi32, #tpu.memory_space<vmem>> -> memref<1x128xi32, #tpu.memory_space<vmem>>
    %dma_start3A_19 = tpu.memref_squeeze %dma_start3A_18 : memref<1x128xi32, #tpu.memory_space<vmem>> -> memref<128xi32, #tpu.memory_space<vmem>>
    %dma_start3A_20 = arith.constant 0 : i32
    %dma_start3A_21 = arith.constant 0 : i32
    %dma_start3A_22 = tpu.memref_slice %arg4[%dma_start3A_20, %dma_start3A_21] : memref<10112x32xf32, #tpu.memory_space<hbm>> -> memref<10112x32xf32, #tpu.memory_space<hbm>>
    %dma_start3A_23 = tpu.memref_slice %arg13[%dma_start3A_12] : memref<8x!tpu.dma_semaphore, #tpu.memory_space<semaphore_mem>> -> memref<1x!tpu.dma_semaphore, #tpu.memory_space<semaphore_mem>>
    %dma_start3A_24 = tpu.memref_squeeze %dma_start3A_23 : memref<1x!tpu.dma_semaphore, #tpu.memory_space<semaphore_mem>> -> memref<!tpu.dma_semaphore, #tpu.memory_space<semaphore_mem>>
    tpu.enqueue_indirect_dma source(%dma_start3A_22 : memref<10112x32xf32, #tpu.memory_space<hbm>>) target(%dma_start3A_16 : memref<128x32xf32, #tpu.memory_space<vmem>>) offsets(%dma_start3A_19 : memref<128xi32, #tpu.memory_space<vmem>>) semaphore(%dma_start3A_24 : memref<!tpu.dma_semaphore, #tpu.memory_space<semaphore_mem>>)
    %dma_start3A_25 = arith.constant 1 : i32
    %dma_start3A_26 = arith.constant 1 : i32
    %dma_start3A_27 = arith.constant 1 : i32
    %dma_start3A_28 = arith.constant 0 : i32
    %dma_start3A_29 = arith.constant 0 : i32
    %dma_start3A_30 = tpu.memref_slice %arg11[%dma_start3A_26, %dma_start3A_28, %dma_start3A_29] : memref<8x128x32xf32, #tpu.memory_space<vmem>> -> memref<1x128x32xf32, #tpu.memory_space<vmem>>
    %dma_start3A_31 = tpu.memref_squeeze %dma_start3A_30 : memref<1x128x32xf32, #tpu.memory_space<vmem>> -> memref<128x32xf32, #tpu.memory_space<vmem>>
    %dma_start3A_32 = arith.constant 0 : i32
    %dma_start3A_33 = tpu.memref_slice %arg7[%dma_start3A_25, %dma_start3A_32] : memref<78x128xi32, #tpu.memory_space<vmem>> -> memref<1x128xi32, #tpu.memory_space<vmem>>
    %dma_start3A_34 = tpu.memref_squeeze %dma_start3A_33 : memref<1x128xi32, #tpu.memory_space<vmem>> -> memref<128xi32, #tpu.memory_space<vmem>>
    %dma_start3A_35 = arith.constant 0 : i32
    %dma_start3A_36 = arith.constant 0 : i32
    %dma_start3A_37 = tpu.memref_slice %arg4[%dma_start3A_35, %dma_start3A_36] : memref<10112x32xf32, #tpu.memory_space<hbm>> -> memref<10112x32xf32, #tpu.memory_space<hbm>>
    %dma_start3A_38 = tpu.memref_slice %arg13[%dma_start3A_27] : memref<8x!tpu.dma_semaphore, #tpu.memory_space<semaphore_mem>> -> memref<1x!tpu.dma_semaphore, #tpu.memory_space<semaphore_mem>>
    %dma_start3A_39 = tpu.memref_squeeze %dma_start3A_38 : memref<1x!tpu.dma_semaphore, #tpu.memory_space<semaphore_mem>> -> memref<!tpu.dma_semaphore, #tpu.memory_space<semaphore_mem>>
    tpu.enqueue_indirect_dma source(%dma_start3A_37 : memref<10112x32xf32, #tpu.memory_space<hbm>>) target(%dma_start3A_31 : memref<128x32xf32, #tpu.memory_space<vmem>>) offsets(%dma_start3A_34 : memref<128xi32, #tpu.memory_space<vmem>>) semaphore(%dma_start3A_39 : memref<!tpu.dma_semaphore, #tpu.memory_space<semaphore_mem>>)
    %dma_start3A_40 = arith.constant 2 : i32
    %dma_start3A_41 = arith.constant 2 : i32
    %dma_start3A_42 = arith.constant 2 : i32
    %dma_start3A_43 = arith.constant 0 : i32
    %dma_start3A_44 = arith.constant 0 : i32
    %dma_start3A_45 = tpu.memref_slice %arg11[%dma_start3A_41, %dma_start3A_43, %dma_start3A_44] : memref<8x128x32xf32, #tpu.memory_space<vmem>> -> memref<1x128x32xf32, #tpu.memory_space<vmem>>
    %dma_start3A_46 = tpu.memref_squeeze %dma_start3A_45 : memref<1x128x32xf32, #tpu.memory_space<vmem>> -> memref<128x32xf32, #tpu.memory_space<vmem>>
    %dma_start3A_47 = arith.constant 0 : i32
    %dma_start3A_48 = tpu.memref_slice %arg7[%dma_start3A_40, %dma_start3A_47] : memref<78x128xi32, #tpu.memory_space<vmem>> -> memref<1x128xi32, #tpu.memory_space<vmem>>
    %dma_start3A_49 = tpu.memref_squeeze %dma_start3A_48 : memref<1x128xi32, #tpu.memory_space<vmem>> -> memref<128xi32, #tpu.memory_space<vmem>>
    %dma_start3A_50 = arith.constant 0 : i32
    %dma_start3A_51 = arith.constant 0 : i32
    %dma_start3A_52 = tpu.memref_slice %arg4[%dma_start3A_50, %dma_start3A_51] : memref<10112x32xf32, #tpu.memory_space<hbm>> -> memref<10112x32xf32, #tpu.memory_space<hbm>>
    %dma_start3A_53 = tpu.memref_slice %arg13[%dma_start3A_42] : memref<8x!tpu.dma_semaphore, #tpu.memory_space<semaphore_mem>> -> memref<1x!tpu.dma_semaphore, #tpu.memory_space<semaphore_mem>>
    %dma_start3A_54 = tpu.memref_squeeze %dma_start3A_53 : memref<1x!tpu.dma_semaphore, #tpu.memory_space<semaphore_mem>> -> memref<!tpu.dma_semaphore, #tpu.memory_space<semaphore_mem>>
    tpu.enqueue_indirect_dma source(%dma_start3A_52 : memref<10112x32xf32, #tpu.memory_space<hbm>>) target(%dma_start3A_46 : memref<128x32xf32, #tpu.memory_space<vmem>>) offsets(%dma_start3A_49 : memref<128xi32, #tpu.memory_space<vmem>>) semaphore(%dma_start3A_54 : memref<!tpu.dma_semaphore, #tpu.memory_space<semaphore_mem>>)
    %dma_start3A_55 = arith.constant 3 : i32
    %dma_start3A_56 = arith.constant 3 : i32
    %dma_start3A_57 = arith.constant 3 : i32
    %dma_start3A_58 = arith.constant 0 : i32
    %dma_start3A_59 = arith.constant 0 : i32
    %dma_start3A_60 = tpu.memref_slice %arg11[%dma_start3A_56, %dma_start3A_58, %dma_start3A_59] : memref<8x128x32xf32, #tpu.memory_space<vmem>> -> memref<1x128x32xf32, #tpu.memory_space<vmem>>
    %dma_start3A_61 = tpu.memref_squeeze %dma_start3A_60 : memref<1x128x32xf32, #tpu.memory_space<vmem>> -> memref<128x32xf32, #tpu.memory_space<vmem>>
    %dma_start3A_62 = arith.constant 0 : i32
    %dma_start3A_63 = tpu.memref_slice %arg7[%dma_start3A_55, %dma_start3A_62] : memref<78x128xi32, #tpu.memory_space<vmem>> -> memref<1x128xi32, #tpu.memory_space<vmem>>
    %dma_start3A_64 = tpu.memref_squeeze %dma_start3A_63 : memref<1x128xi32, #tpu.memory_space<vmem>> -> memref<128xi32, #tpu.memory_space<vmem>>
    %dma_start3A_65 = arith.constant 0 : i32
    %dma_start3A_66 = arith.constant 0 : i32
    %dma_start3A_67 = tpu.memref_slice %arg4[%dma_start3A_65, %dma_start3A_66] : memref<10112x32xf32, #tpu.memory_space<hbm>> -> memref<10112x32xf32, #tpu.memory_space<hbm>>
    %dma_start3A_68 = tpu.memref_slice %arg13[%dma_start3A_57] : memref<8x!tpu.dma_semaphore, #tpu.memory_space<semaphore_mem>> -> memref<1x!tpu.dma_semaphore, #tpu.memory_space<semaphore_mem>>
    %dma_start3A_69 = tpu.memref_squeeze %dma_start3A_68 : memref<1x!tpu.dma_semaphore, #tpu.memory_space<semaphore_mem>> -> memref<!tpu.dma_semaphore, #tpu.memory_space<semaphore_mem>>
    tpu.enqueue_indirect_dma source(%dma_start3A_67 : memref<10112x32xf32, #tpu.memory_space<hbm>>) target(%dma_start3A_61 : memref<128x32xf32, #tpu.memory_space<vmem>>) offsets(%dma_start3A_64 : memref<128xi32, #tpu.memory_space<vmem>>) semaphore(%dma_start3A_69 : memref<!tpu.dma_semaphore, #tpu.memory_space<semaphore_mem>>)
    %scan3A = arith.constant 0 : i32
    %scan3A_70 = arith.constant 0 : i32
    %scan3A_71 = arith.constant 78 : i32
    %scan3A_72 = arith.addi %scan3A_70, %scan3A_71 : i32
    %scan3A_73 = arith.constant 1 : i32
    scf.for %scan3A_85 = %scan3A_70 to %scan3A_72 step %scan3A_73  : i32 {
      %add3A_86 = arith.constant 4 : i32
      %add3A_87 = arith.addi %scan3A_85, %add3A_86 : i32
      %rem3A = arith.constant 8 : i32
      %rem3A_88 = arith.remsi %add3A_87, %rem3A : i32
      %lt3A_89 = arith.constant 78 : i32
      %lt3A_90 = arith.cmpi slt, %add3A_87, %lt3A_89 : i32
      %convert_element_type3A_91 = arith.extui %lt3A_90 : i1 to i32
      %cond3A_92 = arith.constant 0 : i32
      %cond3A_93 = arith.cmpi ne, %convert_element_type3A_91, %cond3A_92 : i32
      scf.if %cond3A_93 {
        %dma_start3A_107 = arith.constant 0 : i32
        %dma_start3A_108 = arith.constant 0 : i32
        %dma_start3A_109 = tpu.memref_slice %arg11[%rem3A_88, %dma_start3A_107, %dma_start3A_108] : memref<8x128x32xf32, #tpu.memory_space<vmem>> -> memref<1x128x32xf32, #tpu.memory_space<vmem>>
        %dma_start3A_110 = tpu.memref_squeeze %dma_start3A_109 : memref<1x128x32xf32, #tpu.memory_space<vmem>> -> memref<128x32xf32, #tpu.memory_space<vmem>>
        %dma_start3A_111 = arith.constant 0 : i32
        %dma_start3A_112 = tpu.memref_slice %arg7[%add3A_87, %dma_start3A_111] : memref<78x128xi32, #tpu.memory_space<vmem>> -> memref<1x128xi32, #tpu.memory_space<vmem>>
        %dma_start3A_113 = tpu.memref_squeeze %dma_start3A_112 : memref<1x128xi32, #tpu.memory_space<vmem>> -> memref<128xi32, #tpu.memory_space<vmem>>
        %dma_start3A_114 = arith.constant 0 : i32
        %dma_start3A_115 = arith.constant 0 : i32
        %dma_start3A_116 = tpu.memref_slice %arg4[%dma_start3A_114, %dma_start3A_115] : memref<10112x32xf32, #tpu.memory_space<hbm>> -> memref<10112x32xf32, #tpu.memory_space<hbm>>
        %dma_start3A_117 = tpu.memref_slice %arg13[%rem3A_88] : memref<8x!tpu.dma_semaphore, #tpu.memory_space<semaphore_mem>> -> memref<1x!tpu.dma_semaphore, #tpu.memory_space<semaphore_mem>>
        %dma_start3A_118 = tpu.memref_squeeze %dma_start3A_117 : memref<1x!tpu.dma_semaphore, #tpu.memory_space<semaphore_mem>> -> memref<!tpu.dma_semaphore, #tpu.memory_space<semaphore_mem>>
        tpu.enqueue_indirect_dma source(%dma_start3A_116 : memref<10112x32xf32, #tpu.memory_space<hbm>>) target(%dma_start3A_110 : memref<128x32xf32, #tpu.memory_space<vmem>>) offsets(%dma_start3A_113 : memref<128xi32, #tpu.memory_space<vmem>>) semaphore(%dma_start3A_118 : memref<!tpu.dma_semaphore, #tpu.memory_space<semaphore_mem>>)
      } else {
      }
      %rem3A_94 = arith.constant 8 : i32
      %rem3A_95 = arith.remsi %scan3A_85, %rem3A_94 : i32
      %dma_wait3A = arith.constant 0 : i32
      %dma_wait3A_96 = arith.constant 0 : i32
      %dma_wait3A_97 = tpu.memref_slice %arg11[%rem3A_95, %dma_wait3A, %dma_wait3A_96] : memref<8x128x32xf32, #tpu.memory_space<vmem>> -> memref<1x128x32xf32, #tpu.memory_space<vmem>>
      %dma_wait3A_98 = tpu.memref_squeeze %dma_wait3A_97 : memref<1x128x32xf32, #tpu.memory_space<vmem>> -> memref<128x32xf32, #tpu.memory_space<vmem>>
      %dma_wait3A_99 = arith.constant 0 : i32
      %dma_wait3A_100 = tpu.memref_slice %arg7[%scan3A_85, %dma_wait3A_99] : memref<78x128xi32, #tpu.memory_space<vmem>> -> memref<1x128xi32, #tpu.memory_space<vmem>>
      %dma_wait3A_101 = tpu.memref_squeeze %dma_wait3A_100 : memref<1x128xi32, #tpu.memory_space<vmem>> -> memref<128xi32, #tpu.memory_space<vmem>>
      %dma_wait3A_102 = arith.constant 0 : i32
      %dma_wait3A_103 = arith.constant 0 : i32
      %dma_wait3A_104 = tpu.memref_slice %arg4[%dma_wait3A_102, %dma_wait3A_103] : memref<10112x32xf32, #tpu.memory_space<hbm>> -> memref<10112x32xf32, #tpu.memory_space<hbm>>
      %dma_wait3A_105 = tpu.memref_slice %arg13[%rem3A_95] : memref<8x!tpu.dma_semaphore, #tpu.memory_space<semaphore_mem>> -> memref<1x!tpu.dma_semaphore, #tpu.memory_space<semaphore_mem>>
      %dma_wait3A_106 = tpu.memref_squeeze %dma_wait3A_105 : memref<1x!tpu.dma_semaphore, #tpu.memory_space<semaphore_mem>> -> memref<!tpu.dma_semaphore, #tpu.memory_space<semaphore_mem>>
      tpu.wait_indirect_dma semaphore(%dma_wait3A_106 : memref<!tpu.dma_semaphore, #tpu.memory_space<semaphore_mem>>) src(%dma_wait3A_104 : memref<10112x32xf32, #tpu.memory_space<hbm>>) dst(%dma_wait3A_98 : memref<128x32xf32, #tpu.memory_space<vmem>>)
      "tpu.region"() ({
        %run_scoped3A = tpu.sem_alloc : memref<!tpu.dma_semaphore, #tpu.memory_space<semaphore_mem>>
        %dma_start3A_107 = arith.constant 0 : i32
        %dma_start3A_108 = arith.constant 0 : i32
        %dma_start3A_109 = tpu.memref_slice %arg11[%rem3A_95, %dma_start3A_107, %dma_start3A_108] : memref<8x128x32xf32, #tpu.memory_space<vmem>> -> memref<1x128x32xf32, #tpu.memory_space<vmem>>
        %dma_start3A_110 = tpu.memref_squeeze %dma_start3A_109 : memref<1x128x32xf32, #tpu.memory_space<vmem>> -> memref<128x32xf32, #tpu.memory_space<vmem>>
        %dma_start3A_111 = arith.constant 0 : i32
        %dma_start3A_112 = tpu.memref_slice %arg8[%scan3A_85, %dma_start3A_111] : memref<78x128xi32, #tpu.memory_space<vmem>> -> memref<1x128xi32, #tpu.memory_space<vmem>>
        %dma_start3A_113 = tpu.memref_squeeze %dma_start3A_112 : memref<1x128xi32, #tpu.memory_space<vmem>> -> memref<128xi32, #tpu.memory_space<vmem>>
        %dma_start3A_114 = arith.constant 0 : i32
        %dma_start3A_115 = arith.constant 0 : i32
        %dma_start3A_116 = tpu.memref_slice %arg12[%dma_start3A_114, %dma_start3A_115] : memref<10112x32xf32, #tpu.memory_space<vmem_shared>> -> memref<10112x32xf32, #tpu.memory_space<vmem_shared>>
        tpu.enqueue_indirect_dma source(%dma_start3A_110 : memref<128x32xf32, #tpu.memory_space<vmem>>) target(%dma_start3A_116 : memref<10112x32xf32, #tpu.memory_space<vmem_shared>>) offsets(%dma_start3A_113 : memref<128xi32, #tpu.memory_space<vmem>>) semaphore(%run_scoped3A : memref<!tpu.dma_semaphore, #tpu.memory_space<semaphore_mem>>) {add = true}
        %dma_wait3A_117 = arith.constant 0 : i32
        %dma_wait3A_118 = arith.constant 0 : i32
        %dma_wait3A_119 = tpu.memref_slice %arg11[%rem3A_95, %dma_wait3A_117, %dma_wait3A_118] : memref<8x128x32xf32, #tpu.memory_space<vmem>> -> memref<1x128x32xf32, #tpu.memory_space<vmem>>
        %dma_wait3A_120 = tpu.memref_squeeze %dma_wait3A_119 : memref<1x128x32xf32, #tpu.memory_space<vmem>> -> memref<128x32xf32, #tpu.memory_space<vmem>>
        %dma_wait3A_121 = arith.constant 0 : i32
        %dma_wait3A_122 = tpu.memref_slice %arg8[%scan3A_85, %dma_wait3A_121] : memref<78x128xi32, #tpu.memory_space<vmem>> -> memref<1x128xi32, #tpu.memory_space<vmem>>
        %dma_wait3A_123 = tpu.memref_squeeze %dma_wait3A_122 : memref<1x128xi32, #tpu.memory_space<vmem>> -> memref<128xi32, #tpu.memory_space<vmem>>
        %dma_wait3A_124 = arith.constant 0 : i32
        %dma_wait3A_125 = arith.constant 0 : i32
        %dma_wait3A_126 = tpu.memref_slice %arg12[%dma_wait3A_124, %dma_wait3A_125] : memref<10112x32xf32, #tpu.memory_space<vmem_shared>> -> memref<10112x32xf32, #tpu.memory_space<vmem_shared>>
        tpu.wait_indirect_dma semaphore(%run_scoped3A : memref<!tpu.dma_semaphore, #tpu.memory_space<semaphore_mem>>) src(%dma_wait3A_120 : memref<128x32xf32, #tpu.memory_space<vmem>>) dst(%dma_wait3A_126 : memref<10112x32xf32, #tpu.memory_space<vmem_shared>>)
        tpu.yield
      }) : () -> ()
    }
    %scan3A_74 = arith.constant 78 : i32
    %lt3A_75 = arith.constant 4 : i32
    %lt3A_76 = arith.cmpi slt, %add3A, %lt3A_75 : i32
    %convert_element_type3A_77 = arith.extui %lt3A_76 : i1 to i32
    %cond3A_78 = arith.constant 0 : i32
    %cond3A_79 = arith.cmpi ne, %convert_element_type3A_77, %cond3A_78 : i32
    scf.if %cond3A_79 {
      %run_scoped3A = arith.constant 0 : i32
      %run_scoped3A_85 = arith.constant 0 : i32
      "tpu.region"() ({
        %run_scoped3A_88 = tpu.sem_alloc : memref<!tpu.dma_semaphore, #tpu.memory_space<semaphore_mem>>
        %dma_start3A_89 = arith.constant 0 : i32
        %dma_start3A_90 = arith.constant 0 : i32
        %dma_start3A_91 = tpu.memref_slice %arg11[%run_scoped3A_85, %dma_start3A_89, %dma_start3A_90] : memref<8x128x32xf32, #tpu.memory_space<vmem>> -> memref<1x128x32xf32, #tpu.memory_space<vmem>>
        %dma_start3A_92 = tpu.memref_squeeze %dma_start3A_91 : memref<1x128x32xf32, #tpu.memory_space<vmem>> -> memref<128x32xf32, #tpu.memory_space<vmem>>
        %dma_start3A_93 = arith.constant 0 : i32
        %dma_start3A_94 = tpu.memref_slice %arg9[%run_scoped3A, %dma_start3A_93] : memref<1x128xi32, #tpu.memory_space<vmem>> -> memref<1x128xi32, #tpu.memory_space<vmem>>
        %dma_start3A_95 = tpu.memref_squeeze %dma_start3A_94 : memref<1x128xi32, #tpu.memory_space<vmem>> -> memref<128xi32, #tpu.memory_space<vmem>>
        %dma_start3A_96 = arith.constant 0 : i32
        %dma_start3A_97 = arith.constant 0 : i32
        %dma_start3A_98 = tpu.memref_slice %arg4[%dma_start3A_96, %dma_start3A_97] : memref<10112x32xf32, #tpu.memory_space<hbm>> -> memref<10112x32xf32, #tpu.memory_space<hbm>>
        tpu.enqueue_indirect_dma source(%dma_start3A_98 : memref<10112x32xf32, #tpu.memory_space<hbm>>) target(%dma_start3A_92 : memref<128x32xf32, #tpu.memory_space<vmem>>) offsets(%dma_start3A_95 : memref<128xi32, #tpu.memory_space<vmem>>) semaphore(%run_scoped3A_88 : memref<!tpu.dma_semaphore, #tpu.memory_space<semaphore_mem>>)
        %dma_wait3A = arith.constant 0 : i32
        %dma_wait3A_99 = arith.constant 0 : i32
        %dma_wait3A_100 = tpu.memref_slice %arg11[%run_scoped3A_85, %dma_wait3A, %dma_wait3A_99] : memref<8x128x32xf32, #tpu.memory_space<vmem>> -> memref<1x128x32xf32, #tpu.memory_space<vmem>>
        %dma_wait3A_101 = tpu.memref_squeeze %dma_wait3A_100 : memref<1x128x32xf32, #tpu.memory_space<vmem>> -> memref<128x32xf32, #tpu.memory_space<vmem>>
        %dma_wait3A_102 = arith.constant 0 : i32
        %dma_wait3A_103 = tpu.memref_slice %arg9[%run_scoped3A, %dma_wait3A_102] : memref<1x128xi32, #tpu.memory_space<vmem>> -> memref<1x128xi32, #tpu.memory_space<vmem>>
        %dma_wait3A_104 = tpu.memref_squeeze %dma_wait3A_103 : memref<1x128xi32, #tpu.memory_space<vmem>> -> memref<128xi32, #tpu.memory_space<vmem>>
        %dma_wait3A_105 = arith.constant 0 : i32
        %dma_wait3A_106 = arith.constant 0 : i32
        %dma_wait3A_107 = tpu.memref_slice %arg4[%dma_wait3A_105, %dma_wait3A_106] : memref<10112x32xf32, #tpu.memory_space<hbm>> -> memref<10112x32xf32, #tpu.memory_space<hbm>>
        tpu.wait_indirect_dma semaphore(%run_scoped3A_88 : memref<!tpu.dma_semaphore, #tpu.memory_space<semaphore_mem>>) src(%dma_wait3A_107 : memref<10112x32xf32, #tpu.memory_space<hbm>>) dst(%dma_wait3A_101 : memref<128x32xf32, #tpu.memory_space<vmem>>)
        tpu.yield
      }) : () -> ()
      %run_scoped3A_86 = arith.constant 0 : i32
      %run_scoped3A_87 = arith.constant 0 : i32
      "tpu.region"() ({
        %run_scoped3A_88 = tpu.sem_alloc : memref<!tpu.dma_semaphore, #tpu.memory_space<semaphore_mem>>
        %dma_start3A_89 = arith.constant 0 : i32
        %dma_start3A_90 = arith.constant 0 : i32
        %dma_start3A_91 = tpu.memref_slice %arg11[%run_scoped3A_86, %dma_start3A_89, %dma_start3A_90] : memref<8x128x32xf32, #tpu.memory_space<vmem>> -> memref<1x128x32xf32, #tpu.memory_space<vmem>>
        %dma_start3A_92 = tpu.memref_squeeze %dma_start3A_91 : memref<1x128x32xf32, #tpu.memory_space<vmem>> -> memref<128x32xf32, #tpu.memory_space<vmem>>
        %dma_start3A_93 = arith.constant 0 : i32
        %dma_start3A_94 = tpu.memref_slice %arg10[%run_scoped3A_87, %dma_start3A_93] : memref<1x128xi32, #tpu.memory_space<vmem>> -> memref<1x128xi32, #tpu.memory_space<vmem>>
        %dma_start3A_95 = tpu.memref_squeeze %dma_start3A_94 : memref<1x128xi32, #tpu.memory_space<vmem>> -> memref<128xi32, #tpu.memory_space<vmem>>
        %dma_start3A_96 = arith.constant 0 : i32
        %dma_start3A_97 = arith.constant 0 : i32
        %dma_start3A_98 = tpu.memref_slice %arg12[%dma_start3A_96, %dma_start3A_97] : memref<10112x32xf32, #tpu.memory_space<vmem_shared>> -> memref<10112x32xf32, #tpu.memory_space<vmem_shared>>
        tpu.enqueue_indirect_dma source(%dma_start3A_92 : memref<128x32xf32, #tpu.memory_space<vmem>>) target(%dma_start3A_98 : memref<10112x32xf32, #tpu.memory_space<vmem_shared>>) offsets(%dma_start3A_95 : memref<128xi32, #tpu.memory_space<vmem>>) semaphore(%run_scoped3A_88 : memref<!tpu.dma_semaphore, #tpu.memory_space<semaphore_mem>>) {add = true}
        %dma_wait3A = arith.constant 0 : i32
        %dma_wait3A_99 = arith.constant 0 : i32
        %dma_wait3A_100 = tpu.memref_slice %arg11[%run_scoped3A_86, %dma_wait3A, %dma_wait3A_99] : memref<8x128x32xf32, #tpu.memory_space<vmem>> -> memref<1x128x32xf32, #tpu.memory_space<vmem>>
        %dma_wait3A_101 = tpu.memref_squeeze %dma_wait3A_100 : memref<1x128x32xf32, #tpu.memory_space<vmem>> -> memref<128x32xf32, #tpu.memory_space<vmem>>
        %dma_wait3A_102 = arith.constant 0 : i32
        %dma_wait3A_103 = tpu.memref_slice %arg10[%run_scoped3A_87, %dma_wait3A_102] : memref<1x128xi32, #tpu.memory_space<vmem>> -> memref<1x128xi32, #tpu.memory_space<vmem>>
        %dma_wait3A_104 = tpu.memref_squeeze %dma_wait3A_103 : memref<1x128xi32, #tpu.memory_space<vmem>> -> memref<128xi32, #tpu.memory_space<vmem>>
        %dma_wait3A_105 = arith.constant 0 : i32
        %dma_wait3A_106 = arith.constant 0 : i32
        %dma_wait3A_107 = tpu.memref_slice %arg12[%dma_wait3A_105, %dma_wait3A_106] : memref<10112x32xf32, #tpu.memory_space<vmem_shared>> -> memref<10112x32xf32, #tpu.memory_space<vmem_shared>>
        tpu.wait_indirect_dma semaphore(%run_scoped3A_88 : memref<!tpu.dma_semaphore, #tpu.memory_space<semaphore_mem>>) src(%dma_wait3A_101 : memref<128x32xf32, #tpu.memory_space<vmem>>) dst(%dma_wait3A_107 : memref<10112x32xf32, #tpu.memory_space<vmem_shared>>)
        tpu.yield
      }) : () -> ()
    } else {
    }
    %barrier3A_80 = arith.constant 0 : index
    tpu.barrier barrier_id(%barrier3A_80)
    %mul3A_81 = arith.constant 632 : i32
    %mul3A_82 = arith.muli %arg1, %mul3A_81 : i32
    %mul3A_83 = arith.constant 632 : i32
    %mul3A_84 = arith.muli %arg1, %mul3A_83 : i32
    "tpu.region"() ({
      %run_scoped3A = tpu.sem_alloc : memref<!tpu.dma_semaphore, #tpu.memory_space<semaphore_mem>>
      %dma_start3A_85 = arith.constant 0 : i32
      %dma_start3A_86 = tpu.memref_slice %arg6[%arg0, %mul3A_84, %dma_start3A_85] : memref<2x10112x32xf32, #tpu.memory_space<hbm>> -> memref<1x632x32xf32, #tpu.memory_space<hbm>>
      %dma_start3A_87 = tpu.memref_squeeze %dma_start3A_86 : memref<1x632x32xf32, #tpu.memory_space<hbm>> -> memref<632x32xf32, #tpu.memory_space<hbm>>
      %dma_start3A_88 = arith.constant 0 : i32
      %dma_start3A_89 = tpu.memref_slice %arg12[%mul3A_82, %dma_start3A_88] : memref<10112x32xf32, #tpu.memory_space<vmem_shared>> -> memref<632x32xf32, #tpu.memory_space<vmem_shared>>
      tpu.enqueue_dma source(%dma_start3A_89 : memref<632x32xf32, #tpu.memory_space<vmem_shared>>) target(%dma_start3A_87 : memref<632x32xf32, #tpu.memory_space<hbm>>) target_semaphore(%run_scoped3A : memref<!tpu.dma_semaphore, #tpu.memory_space<semaphore_mem>>)
      %dma_wait3A = arith.constant 0 : i32
      %dma_wait3A_90 = tpu.memref_slice %arg6[%arg0, %mul3A_84, %dma_wait3A] : memref<2x10112x32xf32, #tpu.memory_space<hbm>> -> memref<1x632x32xf32, #tpu.memory_space<hbm>>
      %dma_wait3A_91 = tpu.memref_squeeze %dma_wait3A_90 : memref<1x632x32xf32, #tpu.memory_space<hbm>> -> memref<632x32xf32, #tpu.memory_space<hbm>>
      %dma_wait3A_92 = arith.constant 0 : i32
      %dma_wait3A_93 = tpu.memref_slice %arg12[%mul3A_82, %dma_wait3A_92] : memref<10112x32xf32, #tpu.memory_space<vmem_shared>> -> memref<632x32xf32, #tpu.memory_space<vmem_shared>>
      tpu.wait_dma2 semaphore(%run_scoped3A : memref<!tpu.dma_semaphore, #tpu.memory_space<semaphore_mem>>) src(%dma_wait3A_93 : memref<632x32xf32, #tpu.memory_space<vmem_shared>>) dst(%dma_wait3A_91 : memref<632x32xf32, #tpu.memory_space<hbm>>)
      tpu.yield
    }) : () -> ()
    return
  }
}

module attributes {stable_mosaic.version = 14 : i64} {
  func.func @_tc1b_body(%arg0: memref<2x10112x1xf32, #tpu.memory_space<vmem>>, %arg1: memref<10000x64xf32, #tpu.memory_space<vmem>>, %arg2: memref<10112x65xf32, #tpu.memory_space<vmem>>) attributes {dimension_semantics = [], scalar_prefetch = 0 : i64, scratch_operands = 0 : i64, tpu.core_type = #tpu.core_type<tc>} {
    %get3A = arith.constant 0 : index
    %get3A_0 = arith.constant 0 : index
    %get3A_1 = arith.constant 0 : index
    %get3A_2 = vector.load %arg0[%get3A, %get3A_0, %get3A_1] : memref<2x10112x1xf32, #tpu.memory_space<vmem>>, vector<1x10112x1xf32>
    %get3A_3 = vector.shape_cast %get3A_2 : vector<1x10112x1xf32> to vector<10112x1xf32>
    %get3A_4 = arith.constant 1 : index
    %get3A_5 = arith.constant 0 : index
    %get3A_6 = arith.constant 0 : index
    %get3A_7 = vector.load %arg0[%get3A_4, %get3A_5, %get3A_6] : memref<2x10112x1xf32, #tpu.memory_space<vmem>>, vector<1x10112x1xf32>
    %get3A_8 = vector.shape_cast %get3A_7 : vector<1x10112x1xf32> to vector<10112x1xf32>
    %add3A = arith.addf %get3A_3, %get3A_8 : vector<10112x1xf32>
    %add3A_9 = arith.constant 1.000000e+00 : f32
    %add3A_10 = vector.broadcast %add3A_9 : f32 to vector<10112x1xf32>
    %add3A_11 = arith.addf %add3A, %add3A_10 : vector<10112x1xf32>
    %rsqrt3A = math.rsqrt %add3A_11 : vector<10112x1xf32>
    %swap3A = arith.constant 0 : index
    %swap3A_12 = arith.constant 64 : index
    %swap3A_13 = vector.load %arg2[%swap3A, %swap3A_12] : memref<10112x65xf32, #tpu.memory_space<vmem>>, vector<10112x1xf32>
    tpu.vector_store %arg2[%swap3A, %swap3A_12], %rsqrt3A {strides = array<i32>} : memref<10112x65xf32, #tpu.memory_space<vmem>>, vector<10112x1xf32>,
    %slice3A = vector.extract_strided_slice %rsqrt3A {offsets = [0, 0], sizes = [10000, 1], strides = [1, 1]} : vector<10112x1xf32> to vector<10000x1xf32>
    %get3A_14 = arith.constant 0 : index
    %get3A_15 = arith.constant 0 : index
    %get3A_16 = vector.load %arg1[%get3A_14, %get3A_15] : memref<10000x64xf32, #tpu.memory_space<vmem>>, vector<10000x64xf32>
    %mul3A = vector.broadcast %slice3A : vector<10000x1xf32> to vector<10000x64xf32>
    %mul3A_17 = arith.mulf %mul3A, %get3A_16 : vector<10000x64xf32>
    %swap3A_18 = arith.constant 0 : index
    %swap3A_19 = arith.constant 0 : index
    %swap3A_20 = vector.load %arg2[%swap3A_18, %swap3A_19] : memref<10112x65xf32, #tpu.memory_space<vmem>>, vector<10000x64xf32>
    tpu.vector_store %arg2[%swap3A_18, %swap3A_19], %mul3A_17 {strides = array<i32>} : memref<10112x65xf32, #tpu.memory_space<vmem>>, vector<10000x64xf32>,
    %broadcast_in_dim3A = arith.constant 0.000000e+00 : f32
    %broadcast_in_dim3A_21 = vector.broadcast %broadcast_in_dim3A : f32 to vector<112x64xf32>
    %swap3A_22 = arith.constant 10000 : index
    %swap3A_23 = arith.constant 0 : index
    %swap3A_24 = vector.load %arg2[%swap3A_22, %swap3A_23] : memref<10112x65xf32, #tpu.memory_space<vmem>>, vector<112x64xf32>
    tpu.vector_store %arg2[%swap3A_22, %swap3A_23], %broadcast_in_dim3A_21 {strides = array<i32>} : memref<10112x65xf32, #tpu.memory_space<vmem>>, vector<112x64xf32>,
    return
  }
}

module attributes {stable_mosaic.version = 14 : i64} {
  func.func @_tc1a_body(%arg0: memref<10000x128xf32, #tpu.memory_space<vmem>>, %arg1: memref<128x64xf32, #tpu.memory_space<vmem>>, %arg2: memref<10000x64xf32, #tpu.memory_space<vmem>>) attributes {dimension_semantics = [], scalar_prefetch = 0 : i64, scratch_operands = 0 : i64, tpu.core_type = #tpu.core_type<tc>} {
    %get3A = arith.constant 0 : index
    %get3A_0 = arith.constant 0 : index
    %get3A_1 = vector.load %arg0[%get3A, %get3A_0] : memref<10000x128xf32, #tpu.memory_space<vmem>>, vector<10000x128xf32>
    %get3A_2 = arith.constant 0 : index
    %get3A_3 = arith.constant 0 : index
    %get3A_4 = vector.load %arg1[%get3A_2, %get3A_3] : memref<128x64xf32, #tpu.memory_space<vmem>>, vector<128x64xf32>
    %dot_general3A = arith.constant dense<0.000000e+00> : vector<10000x64xf32>
    %dot_general3A_5 = tpu.matmul %get3A_1, %get3A_4, %dot_general3A {dimension_numbers = #tpu.dot_dimension_numbers<[1], [0], [0], [1], [0, 0, 1, 1], [], []>, transpose_lhs_hint = false} : vector<10000x128xf32>, vector<128x64xf32>, vector<10000x64xf32> -> vector<10000x64xf32>
    %swap3A = arith.constant 0 : index
    %swap3A_6 = arith.constant 0 : index
    %swap3A_7 = vector.load %arg2[%swap3A, %swap3A_6] : memref<10000x64xf32, #tpu.memory_space<vmem>>, vector<10000x64xf32>
    tpu.vector_store %arg2[%swap3A, %swap3A_6], %dot_general3A_5 {strides = array<i32>} : memref<10000x64xf32, #tpu.memory_space<vmem>>, vector<10000x64xf32>,
    return
  }
}

module attributes {stable_mosaic.version = 14 : i64} {
  func.func @_tc2_body(%arg0: memref<2x10112x64xf32, #tpu.memory_space<vmem>>, %arg1: memref<10112x65xf32, #tpu.memory_space<vmem>>, %arg2: memref<1x64xf32, #tpu.memory_space<vmem>>, %arg3: memref<64x32xf32, #tpu.memory_space<vmem>>, %arg4: memref<10112x33xf32, #tpu.memory_space<vmem>>) attributes {dimension_semantics = [], scalar_prefetch = 0 : i64, scratch_operands = 0 : i64, tpu.core_type = #tpu.core_type<tc>} {
    %get3A = arith.constant 0 : index
    %get3A_0 = arith.constant 64 : index
    %get3A_1 = vector.load %arg1[%get3A, %get3A_0] : memref<10112x65xf32, #tpu.memory_space<vmem>>, vector<10112x1xf32>
    %get3A_2 = arith.constant 0 : index
    %get3A_3 = arith.constant 0 : index
    %get3A_4 = arith.constant 0 : index
    %get3A_5 = vector.load %arg0[%get3A_2, %get3A_3, %get3A_4] : memref<2x10112x64xf32, #tpu.memory_space<vmem>>, vector<1x10112x64xf32>
    %get3A_6 = vector.shape_cast %get3A_5 : vector<1x10112x64xf32> to vector<10112x64xf32>
    %get3A_7 = arith.constant 1 : index
    %get3A_8 = arith.constant 0 : index
    %get3A_9 = arith.constant 0 : index
    %get3A_10 = vector.load %arg0[%get3A_7, %get3A_8, %get3A_9] : memref<2x10112x64xf32, #tpu.memory_space<vmem>>, vector<1x10112x64xf32>
    %get3A_11 = vector.shape_cast %get3A_10 : vector<1x10112x64xf32> to vector<10112x64xf32>
    %add3A = arith.addf %get3A_6, %get3A_11 : vector<10112x64xf32>
    %get3A_12 = arith.constant 0 : index
    %get3A_13 = arith.constant 0 : index
    %get3A_14 = vector.load %arg1[%get3A_12, %get3A_13] : memref<10112x65xf32, #tpu.memory_space<vmem>>, vector<10112x64xf32>
    %add3A_15 = arith.addf %add3A, %get3A_14 : vector<10112x64xf32>
    %mul3A = vector.broadcast %get3A_1 : vector<10112x1xf32> to vector<10112x64xf32>
    %mul3A_16 = arith.mulf %mul3A, %add3A_15 : vector<10112x64xf32>
    %get3A_17 = arith.constant 0 : index
    %get3A_18 = arith.constant 0 : index
    %get3A_19 = vector.load %arg2[%get3A_17, %get3A_18] : memref<1x64xf32, #tpu.memory_space<vmem>>, vector<1x64xf32>
    %add3A_20 = vector.broadcast %get3A_19 : vector<1x64xf32> to vector<10112x64xf32>
    %add3A_21 = arith.addf %mul3A_16, %add3A_20 : vector<10112x64xf32>
    %max3A = arith.constant 0.000000e+00 : f32
    %max3A_22 = vector.broadcast %max3A : f32 to vector<10112x64xf32>
    %max3A_23 = arith.maximumf %add3A_21, %max3A_22 : vector<10112x64xf32>
    %slice3A = vector.extract_strided_slice %max3A_23 {offsets = [0, 0], sizes = [10000, 64], strides = [1, 1]} : vector<10112x64xf32> to vector<10000x64xf32>
    %get3A_24 = arith.constant 0 : index
    %get3A_25 = arith.constant 0 : index
    %get3A_26 = vector.load %arg3[%get3A_24, %get3A_25] : memref<64x32xf32, #tpu.memory_space<vmem>>, vector<64x32xf32>
    %dot_general3A = arith.constant dense<0.000000e+00> : vector<10000x32xf32>
    %dot_general3A_27 = tpu.matmul %slice3A, %get3A_26, %dot_general3A {dimension_numbers = #tpu.dot_dimension_numbers<[1], [0], [0], [1], [0, 0, 1, 1], [], []>, transpose_lhs_hint = false} : vector<10000x64xf32>, vector<64x32xf32>, vector<10000x32xf32> -> vector<10000x32xf32>
    %swap3A = arith.constant 0 : index
    %swap3A_28 = arith.constant 32 : index
    %swap3A_29 = vector.load %arg4[%swap3A, %swap3A_28] : memref<10112x33xf32, #tpu.memory_space<vmem>>, vector<10112x1xf32>
    tpu.vector_store %arg4[%swap3A, %swap3A_28], %get3A_1 {strides = array<i32>} : memref<10112x33xf32, #tpu.memory_space<vmem>>, vector<10112x1xf32>,
    %slice3A_30 = vector.extract_strided_slice %get3A_1 {offsets = [0, 0], sizes = [10000, 1], strides = [1, 1]} : vector<10112x1xf32> to vector<10000x1xf32>
    %mul3A_31 = vector.broadcast %slice3A_30 : vector<10000x1xf32> to vector<10000x32xf32>
    %mul3A_32 = arith.mulf %mul3A_31, %dot_general3A_27 : vector<10000x32xf32>
    %swap3A_33 = arith.constant 0 : index
    %swap3A_34 = arith.constant 0 : index
    %swap3A_35 = vector.load %arg4[%swap3A_33, %swap3A_34] : memref<10112x33xf32, #tpu.memory_space<vmem>>, vector<10000x32xf32>
    tpu.vector_store %arg4[%swap3A_33, %swap3A_34], %mul3A_32 {strides = array<i32>} : memref<10112x33xf32, #tpu.memory_space<vmem>>, vector<10000x32xf32>,
    %broadcast_in_dim3A = arith.constant 0.000000e+00 : f32
    %broadcast_in_dim3A_36 = vector.broadcast %broadcast_in_dim3A : f32 to vector<112x32xf32>
    %swap3A_37 = arith.constant 10000 : index
    %swap3A_38 = arith.constant 0 : index
    %swap3A_39 = vector.load %arg4[%swap3A_37, %swap3A_38] : memref<10112x33xf32, #tpu.memory_space<vmem>>, vector<112x32xf32>
    tpu.vector_store %arg4[%swap3A_37, %swap3A_38], %broadcast_in_dim3A_36 {strides = array<i32>} : memref<10112x33xf32, #tpu.memory_space<vmem>>, vector<112x32xf32>,
    return
  }
}

module attributes {stable_mosaic.version = 14 : i64} {
  func.func @_tc3_body(%arg0: memref<2x10112x32xf32, #tpu.memory_space<vmem>>, %arg1: memref<10112x33xf32, #tpu.memory_space<vmem>>, %arg2: memref<1x32xf32, #tpu.memory_space<vmem>>, %arg3: memref<32x1xf32, #tpu.memory_space<vmem>>, %arg4: memref<1x1xf32, #tpu.memory_space<vmem>>, %arg5: memref<10000x1xf32, #tpu.memory_space<vmem>>) attributes {dimension_semantics = [], scalar_prefetch = 0 : i64, scratch_operands = 0 : i64, tpu.core_type = #tpu.core_type<tc>} {
    %get3A = arith.constant 0 : index
    %get3A_0 = arith.constant 32 : index
    %get3A_1 = vector.load %arg1[%get3A, %get3A_0] : memref<10112x33xf32, #tpu.memory_space<vmem>>, vector<10000x1xf32>
    %get3A_2 = arith.constant 0 : index
    %get3A_3 = arith.constant 0 : index
    %get3A_4 = arith.constant 0 : index
    %get3A_5 = vector.load %arg0[%get3A_2, %get3A_3, %get3A_4] : memref<2x10112x32xf32, #tpu.memory_space<vmem>>, vector<1x10000x32xf32>
    %get3A_6 = vector.shape_cast %get3A_5 : vector<1x10000x32xf32> to vector<10000x32xf32>
    %get3A_7 = arith.constant 1 : index
    %get3A_8 = arith.constant 0 : index
    %get3A_9 = arith.constant 0 : index
    %get3A_10 = vector.load %arg0[%get3A_7, %get3A_8, %get3A_9] : memref<2x10112x32xf32, #tpu.memory_space<vmem>>, vector<1x10000x32xf32>
    %get3A_11 = vector.shape_cast %get3A_10 : vector<1x10000x32xf32> to vector<10000x32xf32>
    %add3A = arith.addf %get3A_6, %get3A_11 : vector<10000x32xf32>
    %get3A_12 = arith.constant 0 : index
    %get3A_13 = arith.constant 0 : index
    %get3A_14 = vector.load %arg1[%get3A_12, %get3A_13] : memref<10112x33xf32, #tpu.memory_space<vmem>>, vector<10000x32xf32>
    %add3A_15 = arith.addf %add3A, %get3A_14 : vector<10000x32xf32>
    %mul3A = vector.broadcast %get3A_1 : vector<10000x1xf32> to vector<10000x32xf32>
    %mul3A_16 = arith.mulf %mul3A, %add3A_15 : vector<10000x32xf32>
    %get3A_17 = arith.constant 0 : index
    %get3A_18 = arith.constant 0 : index
    %get3A_19 = vector.load %arg2[%get3A_17, %get3A_18] : memref<1x32xf32, #tpu.memory_space<vmem>>, vector<1x32xf32>
    %add3A_20 = vector.broadcast %get3A_19 : vector<1x32xf32> to vector<10000x32xf32>
    %add3A_21 = arith.addf %mul3A_16, %add3A_20 : vector<10000x32xf32>
    %max3A = arith.constant 0.000000e+00 : f32
    %max3A_22 = vector.broadcast %max3A : f32 to vector<10000x32xf32>
    %max3A_23 = arith.maximumf %add3A_21, %max3A_22 : vector<10000x32xf32>
    %get3A_24 = arith.constant 0 : index
    %get3A_25 = arith.constant 0 : index
    %get3A_26 = vector.load %arg3[%get3A_24, %get3A_25] : memref<32x1xf32, #tpu.memory_space<vmem>>, vector<32x1xf32>
    %dot_general3A = arith.constant dense<0.000000e+00> : vector<10000x1xf32>
    %dot_general3A_27 = tpu.matmul %max3A_23, %get3A_26, %dot_general3A {dimension_numbers = #tpu.dot_dimension_numbers<[1], [0], [0], [1], [0, 0, 1, 1], [], []>, transpose_lhs_hint = false} : vector<10000x32xf32>, vector<32x1xf32>, vector<10000x1xf32> -> vector<10000x1xf32>
    %get3A_28 = arith.constant 0 : index
    %get3A_29 = arith.constant 0 : index
    %get3A_30 = vector.load %arg4[%get3A_28, %get3A_29] : memref<1x1xf32, #tpu.memory_space<vmem>>, vector<1x1xf32>
    %add3A_31 = vector.broadcast %get3A_30 : vector<1x1xf32> to vector<10000x1xf32>
    %add3A_32 = arith.addf %dot_general3A_27, %add3A_31 : vector<10000x1xf32>
    %logistic3A = arith.negf %add3A_32 : vector<10000x1xf32>
    %logistic3A_33 = math.exp %logistic3A : vector<10000x1xf32>
    %logistic3A_34 = arith.constant 1.000000e+00 : f32
    %logistic3A_35 = vector.broadcast %logistic3A_34 : f32 to vector<10000x1xf32>
    %logistic3A_36 = arith.addf %logistic3A_35, %logistic3A_33 : vector<10000x1xf32>
    %logistic3A_37 = arith.divf %logistic3A_35, %logistic3A_36 : vector<10000x1xf32>
    %swap3A = arith.constant 0 : index
    %swap3A_38 = arith.constant 0 : index
    %swap3A_39 = vector.load %arg5[%swap3A, %swap3A_38] : memref<10000x1xf32, #tpu.memory_space<vmem>>, vector<10000x1xf32>
    tpu.vector_store %arg5[%swap3A, %swap3A_38], %logistic3A_37 {strides = array<i32>} : memref<10000x1xf32, #tpu.memory_space<vmem>>, vector<10000x1xf32>,
    return
  }
}

</mosaic_0001>

<sc_bundles>
// kernel: kernel.12.cloned.1.call-start
scs
__scs_entry_jumppad:
0x0: {  	(pc) =	sbr.rel $0x88, $3  }
0x1: {  	(tag) =	ssettag $0x0;
	lr =	simm.s32 $0x1  }
0x2: {  	[smem:$0x3F99] =	sst lr;
	_ =	strace $0xD0000000  }
0x3: {  	_ = 	snop  }
0x4: {  	_ = 	snop  }
0x5: {  	_ = 	snop  }
0x6: {  	_ = 	snop  }
0x7: {  	_ = 	snop  }
__scs_overlays_trampoline_lowered:
0x8: {  	[smem:$0x3FA8] =	sst s0  }
0x9: {  	[smem:$0x3FA9] =	sst s1  }
0xa: {  	[smem:$0x3FAA] =	sst s2  }
0xb: {  	[smem:$0x3FAB] =	sst s3  }
0xc: {  	[smem:$0x3FAC] =	sst s4  }
0xd: {  	[smem:$0x3FAD] =	sst s5  }
0xe: {  	[smem:$0x3FAE] =	sst s6  }
0xf: {  	[smem:$0x3FAF] =	sst s7  }
0x10: {  	[smem:$0x3FB0] =	sst s8  }
0x11: {  	[smem:$0x3FB1] =	sst s9;
	s0 =	simm.s32 @!p0 $0x0  }
0x12: {  	s1 =	sld [smem:$0x3F97];
	s0 =	simm.s32 @p0 $0x1  }
0x13: {  	[smem:$0x3FB2] =	sst s0;
	s0 =	simm.s32 @!p1 $0x0  }
0x14: {  	s2 =	sld [smem:$0x3F96];
	s0 =	simm.s32 @p1 $0x1  }
0x15: {  	[smem:$0x3FB3] =	sst s0;
	s0 =	simm.s32 @!p2 $0x0  }
0x16: {  	s3 =	sld [smem:$0x3FDB];
	s0 =	simm.s32 @p2 $0x1  }
0x17: {  	s4 =	simm.s32 $0x1BF5;
	[smem:$0x3FB5] =	sst s0  }
0x18: {  	s0 =	sld [smem:$0x3F98];
	_ =	swait.ge [sflag:s4], $0x0  }
0x19: {  	s7 =	sld [smem:$0x3F99]  }
0x1a: {  	s8 =	sadd.s32 $0xFFFFE003, lr  }
0x1b: {  	s9 =	sadd.s32 $0xFFFFFEF7, lr;
	s5 =	simm.s32 $0xFFFFFFFF;
	p2 =	slt.u32 s8, $0xFFFFF086  }
0x1c: {  	p1 =	slt.u32 s9, $0xF7A;
	s5 =	simm.s32 @!p2 $0x0  }
0x1d: {  	s5 =	simm.s32 @p1 $0x1;
	p0 =	seq.s32 s7, s2  }
0x1e: {  	s7 =	smul.u32 @!p0 $0xF7A, s2;
	p2 =	seq.s32 @!p0 s5, $0x0  }
0x1f: {  	s9 =	smul.u32 $0xF7A, s1;
	s8 =	simm.s32 @!p0 $0x1BF5;
	p2 =	por !p2, p0  }
0x20: {  	[sflag:s8] =	ssyncset.s32 @!p0 $0xFFFFF086;
	s6 =	sadd.s32 @!p0 s3, s7;
	s7 =	simm.s32 @!p0 $0x108  }
0x21: {  	s3 =	sadd.s32 s3, s9;
	s6 =	sadd.s32 @!p0 $0x88, s6;
	s7 =	simm.s32 @p2 $0x1082  }
0x22: {  	[simem:s7], [sflag:s8] =	dma.local @!p0 [hbm:s6], $0xF7A  }
0x23: {  	s9 =	sor.u32 $0xD0000000, s2;
	s6 =	simm.s32 $0x108;
	_ =	swait.ge @!p0 [sflag:s8], $0x0  }
0x24: {  	s3 =	sadd.s32 $0x88, s3;
	s6 =	simm.s32 @!p1 $0x1082;
	[sflag:s4] =	ssyncset.s32 $0xFFFFF086  }
0x25: {  	[simem:s6], [sflag:s4] =	dma.local [hbm:s3], $0xF7A  }
0x26: {  	[smem:$0x3F99] =	sst s1;
	(tag) =	ssettag s2;
	_ =	strace s9  }
0x27: {  	s1 =	sld [smem:$0x3FA9]  }
0x28: {  	s2 =	sld [smem:$0x3FAA]  }
0x29: {  	s4 =	sld [smem:$0x3FAC]  }
0x2a: {  	p0 =	seq.s32 s5, $0x0;
	s5 =	sld [smem:$0x3FAD]  }
0x2b: {  	s6 =	sld [smem:$0x3FAE]  }
0x2c: {  	s7 =	sld [smem:$0x3FAF]  }
0x2d: {  	s3 =	simm.s32 $0x108;
	s8 =	sld [smem:$0x3FB0]  }
0x2e: {  	s3 =	simm.s32 @!p0 $0x1082;
	s9 =	sld [smem:$0x3FB1]  }
0x2f: {  	lr =	sadd.s32 s0, s3;
	s0 =	sld [smem:$0x3FA8]  }
0x30: {  	s3 =	sld [smem:$0x3FAB]  }
0x31: {  	[smem:$0x3FB4] =	sst s10  }
0x32: {  	s10 =	sld [smem:$0x3FB2];
	_ =	sdelay $0x3  }
0x33: {  	p0 =	seq.s32 s10, $0x1;
	s10 =	sld [smem:$0x3FB4];
	_ =	sdelay $0x3  }
0x34: {  	[smem:$0x3FB4] =	sst s10  }
0x35: {  	s10 =	sld [smem:$0x3FB3];
	_ =	sdelay $0x3  }
0x36: {  	p1 =	seq.s32 s10, $0x1;
	s10 =	sld [smem:$0x3FB4];
	_ =	sdelay $0x3  }
0x37: {  	[smem:$0x3FB4] =	sst s10  }
0x38: {  	s10 =	sld [smem:$0x3FB5]  }
0x39: {  	_ = 	snop;
	(pc) =	sbr.ind lr, $3  }
0x3a: {  	_ = 	snop  }
0x3b: {  	_ = 	snop  }
0x3c: {  	p2 =	seq.s32 s10, $0x1;
	s10 =	sld [smem:$0x3FB4]  }
0x3d: {  	_ =	shalt  }
0x3e: {  	_ =	shalt  }
0x3f: {  	_ =	shalt  }
0x40: {  	_ =	shalt  }
0x41: {  	_ =	shalt  }
0x42: {  	_ =	shalt  }
0x43: {  	_ =	shalt  }
0x44: {  	_ =	shalt  }
0x45: {  	_ =	shalt  }
0x46: {  	_ =	shalt  }
0x47: {  	_ =	shalt  }
0x48: {  	_ =	shalt  }
0x49: {  	_ =	shalt  }
0x4a: {  	_ =	shalt  }
0x4b: {  	_ =	shalt  }
0x4c: {  	_ =	shalt  }
0x4d: {  	_ =	shalt  }
0x4e: {  	_ =	shalt  }
0x4f: {  	_ =	shalt  }
0x50: {  	_ =	shalt  }
0x51: {  	_ =	shalt  }
0x52: {  	_ =	shalt  }
0x53: {  	_ =	shalt  }
0x54: {  	_ =	shalt  }
0x55: {  	_ =	shalt  }
0x56: {  	_ =	shalt  }
0x57: {  	_ =	shalt  }
0x58: {  	_ =	shalt  }
0x59: {  	_ =	shalt  }
0x5a: {  	_ =	shalt  }
0x5b: {  	_ =	shalt  }
0x5c: {  	_ =	shalt  }
0x5d: {  	_ =	shalt  }
0x5e: {  	_ =	shalt  }
0x5f: {  	_ =	shalt  }
0x60: {  	_ =	shalt  }
0x61: {  	_ =	shalt  }
0x62: {  	_ =	shalt  }
0x63: {  	_ =	shalt  }
0x64: {  	_ =	shalt  }
0x65: {  	_ =	shalt  }
0x66: {  	_ =	shalt  }
0x67: {  	_ =	shalt  }
0x68: {  	_ =	shalt  }
0x69: {  	_ =	shalt  }
0x6a: {  	_ =	shalt  }
0x6b: {  	_ =	shalt  }
0x6c: {  	_ =	shalt  }
0x6d: {  	_ =	shalt  }
0x6e: {  	_ =	shalt  }
0x6f: {  	_ =	shalt  }
0x70: {  	_ =	shalt  }
0x71: {  	_ =	shalt  }
0x72: {  	_ =	shalt  }
0x73: {  	_ =	shalt  }
0x74: {  	_ =	shalt  }
0x75: {  	_ =	shalt  }
0x76: {  	_ =	shalt  }
0x77: {  	_ =	shalt  }
0x78: {  	_ =	shalt  }
0x79: {  	_ =	shalt  }
0x7a: {  	_ =	shalt  }
0x7b: {  	_ =	shalt  }
0x7c: {  	_ =	shalt  }
0x7d: {  	_ =	shalt  }
0x7e: {  	_ =	shalt  }
0x7f: {  	_ =	shalt  }
0x80: {  	_ =	shalt  }
0x81: {  	_ =	shalt  }
0x82: {  	_ =	shalt  }
0x83: {  	_ =	shalt  }
0x84: {  	_ =	shalt  }
0x85: {  	_ =	shalt  }
0x86: {  	_ =	shalt  }
0x87: {  	_ =	shalt  }
.Lfunc_end0:
.L_simem_size_0:
called_computation.1_lowered:
.L_overlay_start_0:
0x88: {  	s2 =	sld [smem:$0x3FD9]  }
0x89: {  	s3 =	sld [smem:$0x3FFE];
	_ =	sdelay $0x1  }
0x8a: {  	s1 =	srdreg.scid  }
0x8b: {  	s0 =	sand.u32 $0x1, s1  }
0x8c: {  	s16 =	sshll.u32 s0, $0xA;
	s2 =	sadd.s32 s3, s2  }
0x8d: {  	s2 =	sadd.s32 s2, s16  }
0x8e: {  	[smem:$0x3FC0] =	sst s2  }
0x8f: {  	_ = 	snop  }
0x90: {  	(tm) =	ssettm $0x1  }
0x91: {  	s17 =	sld [smem:$0x3FFB];
	_ =	sdelay $0x3  }
0x92: {  	_ =	strace s17  }
0x93: {  	s2 =	sld [smem:$0x3FFC];
	_ =	sdelay $0x3  }
0x94: {  	_ =	strace s2  }
0x95: {  	s2 =	sld [smem:$0x3FFD];
	_ =	sdelay $0x3  }
0x96: {  	_ =	strace s2  }
0x97: {  	_ =	strace $0x8FFFFFFF  }
0x98: {  	s18 =	sld [smem:$0x3FDB];
	_ =	sdelay $0x1  }
0x99: {  	s19 =	simm.s32 $_scs_section_size  }
0x9a: {  	s4 =	simm.s32 $_size__tile_overlayer_lowered;
	s5 =	simm.s32 $_tile_overlayer_lowered  }
0x9b: {  	s22 =	simm.s32 $0x1BFF;
	s21 =	sshll.u32 s5, $0x1;
	s2 =	sadd.s32 s19, s18  }
0x9c: {  	s6 =	simm.s32 $0x0;
	s20 =	sshll.u32 s4, $0x1;
	s4 =	sadd.s32 s21, s2  }
0x9d: {  	[timem:s6], [sflag:s22] =	dma.local [hbm:s4], s20  }
0x9e: {  	_ =	swait.ge [sflag:s22], s20  }
0x9f: {  	s3 =	ssub.s32 $0x0, s20;
	[sflag:s22] =	ssyncset.done $0x0  }
0xa0: {  	[sflag:s22] =	ssyncadd.s32 s3;
	_ =	sdelay $0x1  }
0xa1: {  	s23 =	simm.s32 $0x1B8B  }
0xa2: {  	_ =	swait.ge [sflag:s23], $0x1  }
0xa3: {  	[sflag:s23] =	ssyncset.done $0x0  }
0xa4: {  	s25 =	simm.s32 $0x1B8E;
	s24 =	sld [smem:$0x3FFE];
	[sflag:s23] =	ssyncadd.s32 $0xFFFFFFFF  }
0xa5: {  	s26 =	simm.s32 $execute0_lowered;
	[smem:$0x3FD2] =	sst s25  }
0xa6: {  	s4 =	sshll.u32 s26, $0x1;
	_ =	strace $0x80000049;
	[dreg:$0x1] =	wrdreg $0xFFFFFFFF  }
0xa7: {  	s28 =	simm.s32 $_size_execute0_lowered;
	s2 =	sadd.s32 s2, s4;
	[dreg:$0x0] =	wrdreg $0x0  }
0xa8: {  	s4 =	sshll.u32 s28, $0x1;
	[dreg:$0x2] =	wrdreg s2  }
0xa9: {  	[dreg:$0x3] =	wrdreg s4  }
0xaa: {  	[dreg:$0x4] =	wrdreg $0xC0  }
0xab: {  	_ =	task [dreg:s6], $0x5FFFF  }
0xac: {  	[dreg:$0x1] =	wrdreg $0xFFFFFFFF  }
0xad: {  	[dreg:$0x0] =	wrdreg $0x60  }
0xae: {  	[dreg:$0x2] =	wrdreg s24  }
0xaf: {  	[dreg:$0x3] =	wrdreg $0x14F000  }
0xb0: {  	[dreg:$0x4] =	wrdreg $0x9  }
0xb1: {  	_ =	task.clear_ibuf [dreg:s6], $0x5FFFF;
	_ =	strace $0x90000049  }
0xb2: {  	s29 =	simm.s32 $0x9;
	_ =	strace $0x8000004B  }
0xb3: {  	_ =	swait.ge [sflag:s29], $0x1  }
0xb4: {  	[sflag:s29] =	ssyncadd.s32 $0xFFFFFFFF  }
0xb5: {  	_ =	strace $0x9000004B  }
0xb6: {  	_ =	sfence  }
0xb7: {  	s30 =	sld [smem:$0x0];
	_ =	sdelay $0x2  }
0xb8: {  	s31 =	sshll.u32 s1, $0xD;
	s1 =	sshrl.u32 s1, $0x2  }
0xb9: {  	s3 =	sand.u32 $0x4000, s31;
	s1 =	sadd.s32 s1, s30  }
0xba: {  	s0 =	sor.u32 s3, s0;
	s1 =	sshll.u32 s1, $0x11  }
0xbb: {  	s0 =	sor.u32 s1, s0  }
0xbc: {  	s0 =	sadd.s32 $0x8F2B, s0  }
0xbd: {  	[sflag:s0] =	ssyncadd.remote.s32 $0x1  }
0xbe: {  	_ =	sfence.sel $0xFFFF  }
0xbf: {  	[dreg:$0x0] =	wrdreg $0xFFFFFFFF;
	(pc) =	sbr.abs _section_cstart, $3  }
0xc0: {  	[dreg:$0x1] =	wrdreg $0xFFFFFFFF  }
0xc1: {  	_ =	task.clear_ibuf [dreg:s6], $0x2FFFF;
	_ =	strace $0x9FFFFFFF  }
0xc2: {  	(tm) =	ssettm $0x7FFFFFFF  }
0xc3: {  	_ =	shalt  }
tec
execute0_lowered:
.L_overlay_start_1:
0x0: {  	(tag) =	ssettag $0x1  }
0x1: {  	s5 =	rddreg [dreg:$0x0]  }
0x2: {  	s2 =	rddreg [dreg:$0x1]  }
0x3: {  	s0 =	stileid.u32;
	s4 =	srdreg.scid;
	s3 =	simm.s32 $0x0  }
0x4: {  	s16 =	simm.s32 $0x80;
	s18 =	simm.s32 $0x6F00;
	s19 =	simm.s32 $0x100  }
0x5: {  	s20 =	simm.s32 $0x8F00;
	s21 =	simm.s32 $0x180;
	s22 =	simm.s32 $0xAF00  }
0x6: {  	s23 =	simm.s32 $0x0;
	s6 =	smul.u32 $0x9E00, s0;
	s7 =	sand.u32 $0x1, s4  }
0x7: {  	[smem:$0x7FF] =	sst s3;
	s9 =	sadd.s32 $0xAE00, s5;
	s10 =	sadd.s32 $0x1000, s5  }
0x8: {  	s4 =	sadd.s32 $0x14C00, s5;
	s28 =	sshll.u32 s0, $0x6;
	s30 =	sshll.u32 s0, $0x4  }
0x9: {  	s8 =	smul.u32 $0x9E000, s7;
	_ =	strace $0x8000004A;
	s12 =	ssub.s32 $0x2, s7  }
0xa: {  	s7 =	sshll.u32 s7, $0x4;
	s31 =	sor.u32 $0x9C00, s30;
	s11 =	sshrl.u32 s6, $0x3  }
0xb: {  	s26 =	sshrl.u32 s12, $0x1;
	s14 =	sor.u32 s0, s7;
	s15 =	sadd.s32 s6, s2  }
0xc: {  	s8 =	sadd.s32 s6, s8;
	s11 =	sadd.s32 s11, s5;
	s12 =	ssub.s32 s12, s26  }
0xd: {  	s29 =	smul.u32 $0x4E0, s14;
	s6 =	sor.u32 $0x1C09, s28;
	p0 =	sgt.u32 s14, $0x3  }
0xe: {  	s14 =	simm.s32 $0x9;
	s8 =	sshrl.u32 s8, $0x3;
	s12 =	smax.u32 s12, $0x1  }
0xf: {  	s13 =	sadd.s32 s8, s5;
	s5 =	sadd.s32 $0x28800, s11;
	s7 =	sadd.s32 s9, s29  }
0x10: {  	s8 =	sadd.s32 s10, s29;
	s9 =	sadd.s32 s9, s31;
	s10 =	sadd.s32 s10, s31  }
0x11: {  	s11 =	sadd.s32 $0x3C400, s13;
	s13 =	sshrl.u32 s15, $0x3;
	s15 =	simm.s32 $0x2700  }
.LBB2_1:
0x12: {  	[spmem:s13], [sflag:s6] =	dma.local [hbm:s5], $0x13C0  }
0x13: {  	_ =	swait.ge [sflag:s14], $0x13C0  }
0x14: {  	[sflag:s14] =	ssyncset.done $0x0  }
0x15: {  	[sflag:s14] =	ssyncadd.s32 $0xFFFFEC40  }
0x16: {  	[tilespmem:s3], [sflag:$0x9] =	stream.linear.gather [hbm4b:s7+s3], $0x2700, $0x38;
	[tilespmem:$0x1ED00] =	vst v63  }
0x17: {  	_ =	swait.ge [sflag:s14], $0x2700  }
0x18: {  	[sflag:s14] =	ssyncset.done $0x0  }
0x19: {  	[sflag:s14] =	ssyncadd.s32 $0xFFFFD900  }
0x1a: {  	[tilespmem:s15], [sflag:$0x9] =	stream.linear.gather [hbm4b:s8+s3], $0x2700, $0x38;
	[tilespmem:$0x1ED00] =	vst v63  }
0x1b: {  	_ =	swait.ge [sflag:s14], $0x2700  }
0x1c: {  	[sflag:s14] =	ssyncset.done $0x0  }
0x1d: {  	s24 =	simm.s32 @!p0 $0x0;
	s25 =	simm.s32 @!p0 $0x4E00;
	[sflag:s14] =	ssyncadd.s32 $0xFFFFD900  }
0x1e: {  	[tilespmem:s25], [sflag:$0x9] =	stream.linear.gather @!p0 [hbm4b:s9+s24], $0x80, $0x38;
	[tilespmem:$0x1ED00] =	vst v63  }
0x1f: {  	s25 =	simm.s32 @!p0 $0x9  }
0x20: {  	_ =	swait.ge @!p0 [sflag:s25], $0x80  }
0x21: {  	[sflag:s25] =	ssyncset.done @!p0 $0x0  }
0x22: {  	s26 =	simm.s32 @!p0 $0x4E80;
	[sflag:s25] =	ssyncadd.s32 @!p0 $0xFFFFFF80  }
0x23: {  	[tilespmem:s26], [sflag:$0x9] =	stream.linear.gather @!p0 [hbm4b:s10+s24], $0x80, $0x38;
	[tilespmem:$0x1ED00] =	vst v63  }
0x24: {  	_ =	swait.ge @!p0 [sflag:s25], $0x80  }
0x25: {  	[sflag:s25] =	ssyncset.done @!p0 $0x0  }
0x26: {  	[sflag:s25] =	ssyncadd.s32 @!p0 $0xFFFFFF80  }
0x27: {  	s0 =	simm.s32 $0x4F00;
	[bflag:$0x0] =	sbarrier.arrive $0xFFFF  }
0x28: {  	[tilespmem:s0], [sflag:$0x1] =	stream.indirect.gather [hbm4b:s4+s16], $0x40, s3, s16, $0xb8;
	[tilespmem:$0x1ED00] =	vst v63  }
0x29: {  	p1 =	por $0x0, $0x0;
	s30 =	simm.s32 $0x0;
	s24 =	simm.s32 $0x4  }
0x2a: {  	[tilespmem:s18], [sflag:$0x2] =	stream.indirect.gather [hbm4b:s4+s16], $0x40, s16, s16, $0xb8;
	[tilespmem:$0x1ED00] =	vst v63  }
0x2b: {  	s28 =	sand.u32 $0x7, s30;
	s24 =	sand.u32 @!p1 $0x7, s24  }
0x2c: {  	[tilespmem:s20], [sflag:$0x3] =	stream.indirect.gather [hbm4b:s4+s16], $0x40, s19, s16, $0xb8;
	[tilespmem:$0x1ED00] =	vst v63  }
0x2d: {  	s29 =	simm.s32 @!p1 $0x80;
	s31 =	sadd.s32 $0x1, s28;
	s25 =	sshll.u32 @!p1 s24, $0xD  }
0x2e: {  	[tilespmem:s22], [sflag:$0x4] =	stream.indirect.gather [hbm4b:s4+s16], $0x40, s21, s16, $0xb8;
	[tilespmem:$0x1ED00] =	vst v63  }
0x2f: {  	s26 =	simm.s32 $0x200;
	s24 =	sadd.s32 @!p1 $0x1, s24;
	s25 =	sadd.s32 @!p1 $0x4F00, s25  }
0x30: {  	[tilespmem:s25], [sflag:s24] =	stream.indirect.gather @!p1 [hbm4b:s4+s29], $0x40, s26, s29, $0xb8;
	[tilespmem:$0x1ED00] =	vst v63  }
0x31: {  	s28 =	sshll.u32 s28, $0xD;
	_ =	swait.ge [sflag:s31], $0x2000  }
0x32: {  	s28 =	sadd.s32 $0x4F00, s28;
	s25 =	simm.s32 $0x5;
	[sflag:s31] =	ssyncset.done $0x0  }
0x33: {  	s26 =	simm.s32 $0x6;
	s24 =	simm.s32 $0x2780;
	[sflag:s31] =	ssyncadd.s32 $0xFFFFE000  }
0x34: {  	[spmem:s2] =	stream.indirect.scatter.add.f32 [tilespmem:s28], [sflag:$0x9], $0x40, s15, s16, $0xb8;
	[tilespmem:$0x1ED00] =	vst v63  }
0x35: {  	s29 =	simm.s32 $0x1;
	p1 =	por $0x0, $0x0;
	_ =	swait.ge [sflag:s14], $0x2000  }
0x36: {  	s29 =	sand.u32 $0x7, s29;
	s28 =	simm.s32 $0x280;
	[sflag:s14] =	ssyncset.done $0x0  }
.LBB2_2:
0x37: {  	s30 =	sand.u32 @!p1 $0x7, s25;
	[sflag:s14] =	ssyncadd.s32 $0xFFFFE000  }
0x38: {  	s25 =	smov.u32 s26;
	s26 =	sadd.s32 $0x1, s26;
	s31 =	smov.u32 s24  }
0x39: {  	p2 =	sne.s32 s26, $0x52;
	s0 =	sshll.u32 @!p1 s30, $0xD;
	s30 =	sadd.s32 @!p1 $0x1, s30  }
0x3a: {  	s1 =	simm.s32 @!p1 $0x80;
	s17 =	sadd.s32 $0x1, s29;
	s0 =	sadd.s32 @!p1 $0x4F00, s0  }
0x3b: {  	[tilespmem:s0], [sflag:s30] =	stream.indirect.gather @!p1 [hbm4b:s4+s1], $0x40, s28, s1, $0xb8;
	[tilespmem:$0x1ED00] =	vst v63  }
0x3c: {  	_ =	swait.ge [sflag:s17], $0x2000  }
.Ltmp0:
0x3d: {  	s0 =	sshll.u32 s29, $0xD;
	[sflag:s17] =	ssyncset.done $0x0;
	(pc) =	sbr.rel @p2 .LBB2_2-.Ltmp0, $4  }
0x3e: {  	s24 =	sadd.s32 $0x80, s24;
	s0 =	sadd.s32 $0x4F00, s0;
	[sflag:s17] =	ssyncadd.s32 $0xFFFFE000  }
0x3f: {  	[spmem:s2] =	stream.indirect.scatter.add.f32 [tilespmem:s0], [sflag:$0x9], $0x40, s31, s16, $0xb8;
	[tilespmem:$0x1ED00] =	vst v63  }
0x40: {  	s28 =	sadd.s32 $0x80, s28;
	s0 =	sadd.s32 $0xFFFFFFFC, s25;
	_ =	swait.ge [sflag:s14], $0x2000  }
0x41: {  	p1 =	sgt.u32 s0, $0x49;
	s29 =	sand.u32 $0x7, s0;
	[sflag:s14] =	ssyncset.done $0x0  }
0x42: {  	s0 =	sand.u32 @!p1 $0x7, s25  }
0x43: {  	[sflag:s14] =	ssyncadd.s32 $0xFFFFE000;
	s17 =	simm.s32 @!p1 $0x80;
	s1 =	sshll.u32 @!p1 s0, $0xD  }
0x44: {  	s30 =	sadd.s32 $0x1, s29;
	s0 =	sadd.s32 @!p1 $0x1, s0;
	s1 =	sadd.s32 @!p1 $0x4F00, s1  }
0x45: {  	[tilespmem:s1], [sflag:s0] =	stream.indirect.gather @!p1 [hbm4b:s4+s17], $0x40, s28, s17, $0xb8;
	[tilespmem:$0x1ED00] =	vst v63  }
0x46: {  	_ =	swait.ge [sflag:s30], $0x2000  }
0x47: {  	s31 =	sshll.u32 s29, $0xD;
	[sflag:s30] =	ssyncset.done $0x0  }
0x48: {  	s0 =	sadd.s32 $0x4F00, s31;
	[sflag:s30] =	ssyncadd.s32 $0xFFFFE000  }
0x49: {  	[spmem:s2] =	stream.indirect.scatter.add.f32 [tilespmem:s0], [sflag:$0x9], $0x40, s24, s16, $0xb8;
	[tilespmem:$0x1ED00] =	vst v63  }
0x4a: {  	_ =	swait.ge [sflag:s14], $0x2000  }
0x4b: {  	s1 =	simm.s32 @!p0 $0x4E00;
	[sflag:s14] =	ssyncset.done $0x0  }
0x4c: {  	s17 =	simm.s32 @!p0 $0x4F00;
	s0 =	simm.s32 @!p0 $0x80;
	[sflag:s14] =	ssyncadd.s32 $0xFFFFE000  }
0x4d: {  	[tilespmem:s17], [sflag:$0x9] =	stream.indirect.gather @!p0 [hbm4b:s4+s0], $0x40, s1, s0, $0xb8;
	[tilespmem:$0x1ED00] =	vst v63  }
0x4e: {  	s1 =	simm.s32 @!p0 $0x9  }
0x4f: {  	_ =	swait.ge @!p0 [sflag:s1], $0x2000  }
0x50: {  	[sflag:s1] =	ssyncset.done @!p0 $0x0  }
0x51: {  	s24 =	simm.s32 @!p0 $0x4E80;
	[sflag:s1] =	ssyncadd.s32 @!p0 $0xFFFFE000  }
0x52: {  	[spmem:s2] =	stream.indirect.scatter.add.f32 @!p0 [tilespmem:s17], [sflag:$0x9], $0x40, s24, s0, $0xb8;
	[tilespmem:$0x1ED00] =	vst v63  }
0x53: {  	_ =	swait.ge @!p0 [sflag:s1], $0x2000  }
0x54: {  	s23 =	sadd.s32 $0x1, s23;
	[sflag:s1] =	ssyncset.done @!p0 $0x0  }
0x55: {  	p1 =	sne.s32 s23, s12;
	[sflag:s1] =	ssyncadd.s32 @!p0 $0xFFFFE000  }
.Ltmp1:
0x56: {  	[bflag:$0x0] =	sbarrier.arrive $0xFFFF;
	(pc) =	sbr.rel @p1 .LBB2_1-.Ltmp1, $4  }
0x57: {  	[hbm:s11], [sflag:s6] =	dma.local [spmem:s13], $0x13C0  }
0x58: {  	_ =	swait.ge [sflag:s14], $0x13C0  }
0x59: {  	[sflag:s14] =	ssyncset.done $0x0  }
0x5a: {  	[sflag:s14] =	ssyncadd.s32 $0xFFFFEC40  }
0x5b: {  	_ =	sfence.sel $0x180000  }
0x5c: {  	[bflag:$0x0] =	sbarrier.arrive $0xFFFF  }
0x5d: {  	_ =	strace $0x9000004A  }
0x5e: {  	s0 =	stileid.u32;
	[bflag:$0x2] =	sbarrier.arrive $0xFFFF  }
0x5f: {  	p0 =	sne.s32 s0, $0x0;
	s0 =	rddreg [dreg:$0x2]  }
0x60: {  	s0 =	sadd.s32 @!p0 $0x100000, s0  }
0x61: {  	[sflag:s0] =	ssyncadd.tile.s32 @!p0 $0x1;
	_ =	shalt  }
.Lfunc_end2:
_tile_overlayer_lowered:
.L_overlay_start_2:
0x62: {  	(tag) =	ssettag $0x2  }
0x63: {  	s0 =	rddreg [dreg:$0x0];
	s2 =	stileid.u32  }
0x64: {  	s1 =	rddreg [dreg:$0x1];
	p0 =	sne.s32 s2, $0x0  }
0x65: {  	s3 =	rddreg [dreg:$0x2];
	[bflag:$0x3] =	sbarrier.arrive $0xFFFF;
	s2 =	simm.s32 @!p0 $0x1C09  }
0x66: {  	[timem:s3], [sflag:s2] =	dma.local @!p0 [hbm:s0], s1  }
0x67: {  	s0 =	simm.s32 @!p0 $0x9  }
0x68: {  	_ =	swait.ge @!p0 [sflag:s0], s1  }
0x69: {  	s1 =	ssub.s32 @!p0 $0x0, s1;
	[sflag:s0] =	ssyncset.done @!p0 $0x0  }
0x6a: {  	[sflag:s0] =	ssyncadd.s32 @!p0 s1  }
0x6b: {  	[bflag:$0x3] =	sbarrier.arrive $0xFFFF  }
0x6c: {  	_ =	shalt  }

// kernel: kernel.15.cloned.1.call-start
scs
__scs_entry_jumppad:
0x0: {  	(pc) =	sbr.rel $0x88, $3  }
0x1: {  	(tag) =	ssettag $0x0;
	lr =	simm.s32 $0x1  }
0x2: {  	[smem:$0x3F99] =	sst lr;
	_ =	strace $0xD0000000  }
0x3: {  	_ = 	snop  }
0x4: {  	_ = 	snop  }
0x5: {  	_ = 	snop  }
0x6: {  	_ = 	snop  }
0x7: {  	_ = 	snop  }
__scs_overlays_trampoline_lowered:
0x8: {  	[smem:$0x3FA8] =	sst s0  }
0x9: {  	[smem:$0x3FA9] =	sst s1  }
0xa: {  	[smem:$0x3FAA] =	sst s2  }
0xb: {  	[smem:$0x3FAB] =	sst s3  }
0xc: {  	[smem:$0x3FAC] =	sst s4  }
0xd: {  	[smem:$0x3FAD] =	sst s5  }
0xe: {  	[smem:$0x3FAE] =	sst s6  }
0xf: {  	[smem:$0x3FAF] =	sst s7  }
0x10: {  	[smem:$0x3FB0] =	sst s8  }
0x11: {  	[smem:$0x3FB1] =	sst s9;
	s0 =	simm.s32 @!p0 $0x0  }
0x12: {  	s1 =	sld [smem:$0x3F97];
	s0 =	simm.s32 @p0 $0x1  }
0x13: {  	[smem:$0x3FB2] =	sst s0;
	s0 =	simm.s32 @!p1 $0x0  }
0x14: {  	s2 =	sld [smem:$0x3F96];
	s0 =	simm.s32 @p1 $0x1  }
0x15: {  	[smem:$0x3FB3] =	sst s0;
	s0 =	simm.s32 @!p2 $0x0  }
0x16: {  	s3 =	sld [smem:$0x3FDB];
	s0 =	simm.s32 @p2 $0x1  }
0x17: {  	s4 =	simm.s32 $0x1BF5;
	[smem:$0x3FB5] =	sst s0  }
0x18: {  	s0 =	sld [smem:$0x3F98];
	_ =	swait.ge [sflag:s4], $0x0  }
0x19: {  	s7 =	sld [smem:$0x3F99]  }
0x1a: {  	s8 =	sadd.s32 $0xFFFFE003, lr  }
0x1b: {  	s9 =	sadd.s32 $0xFFFFFEF7, lr;
	s5 =	simm.s32 $0xFFFFFFFF;
	p2 =	slt.u32 s8, $0xFFFFF086  }
0x1c: {  	p1 =	slt.u32 s9, $0xF7A;
	s5 =	simm.s32 @!p2 $0x0  }
0x1d: {  	s5 =	simm.s32 @p1 $0x1;
	p0 =	seq.s32 s7, s2  }
0x1e: {  	s7 =	smul.u32 @!p0 $0xF7A, s2;
	p2 =	seq.s32 @!p0 s5, $0x0  }
0x1f: {  	s9 =	smul.u32 $0xF7A, s1;
	s8 =	simm.s32 @!p0 $0x1BF5;
	p2 =	por !p2, p0  }
0x20: {  	[sflag:s8] =	ssyncset.s32 @!p0 $0xFFFFF086;
	s6 =	sadd.s32 @!p0 s3, s7;
	s7 =	simm.s32 @!p0 $0x108  }
0x21: {  	s3 =	sadd.s32 s3, s9;
	s6 =	sadd.s32 @!p0 $0x88, s6;
	s7 =	simm.s32 @p2 $0x1082  }
0x22: {  	[simem:s7], [sflag:s8] =	dma.local @!p0 [hbm:s6], $0xF7A  }
0x23: {  	s9 =	sor.u32 $0xD0000000, s2;
	s6 =	simm.s32 $0x108;
	_ =	swait.ge @!p0 [sflag:s8], $0x0  }
0x24: {  	s3 =	sadd.s32 $0x88, s3;
	s6 =	simm.s32 @!p1 $0x1082;
	[sflag:s4] =	ssyncset.s32 $0xFFFFF086  }
0x25: {  	[simem:s6], [sflag:s4] =	dma.local [hbm:s3], $0xF7A  }
0x26: {  	[smem:$0x3F99] =	sst s1;
	(tag) =	ssettag s2;
	_ =	strace s9  }
0x27: {  	s1 =	sld [smem:$0x3FA9]  }
0x28: {  	s2 =	sld [smem:$0x3FAA]  }
0x29: {  	s4 =	sld [smem:$0x3FAC]  }
0x2a: {  	p0 =	seq.s32 s5, $0x0;
	s5 =	sld [smem:$0x3FAD]  }
0x2b: {  	s6 =	sld [smem:$0x3FAE]  }
0x2c: {  	s7 =	sld [smem:$0x3FAF]  }
0x2d: {  	s3 =	simm.s32 $0x108;
	s8 =	sld [smem:$0x3FB0]  }
0x2e: {  	s3 =	simm.s32 @!p0 $0x1082;
	s9 =	sld [smem:$0x3FB1]  }
0x2f: {  	lr =	sadd.s32 s0, s3;
	s0 =	sld [smem:$0x3FA8]  }
0x30: {  	s3 =	sld [smem:$0x3FAB]  }
0x31: {  	[smem:$0x3FB4] =	sst s10  }
0x32: {  	s10 =	sld [smem:$0x3FB2];
	_ =	sdelay $0x3  }
0x33: {  	p0 =	seq.s32 s10, $0x1;
	s10 =	sld [smem:$0x3FB4];
	_ =	sdelay $0x3  }
0x34: {  	[smem:$0x3FB4] =	sst s10  }
0x35: {  	s10 =	sld [smem:$0x3FB3];
	_ =	sdelay $0x3  }
0x36: {  	p1 =	seq.s32 s10, $0x1;
	s10 =	sld [smem:$0x3FB4];
	_ =	sdelay $0x3  }
0x37: {  	[smem:$0x3FB4] =	sst s10  }
0x38: {  	s10 =	sld [smem:$0x3FB5]  }
0x39: {  	_ = 	snop;
	(pc) =	sbr.ind lr, $3  }
0x3a: {  	_ = 	snop  }
0x3b: {  	_ = 	snop  }
0x3c: {  	p2 =	seq.s32 s10, $0x1;
	s10 =	sld [smem:$0x3FB4]  }
0x3d: {  	_ =	shalt  }
0x3e: {  	_ =	shalt  }
0x3f: {  	_ =	shalt  }
0x40: {  	_ =	shalt  }
0x41: {  	_ =	shalt  }
0x42: {  	_ =	shalt  }
0x43: {  	_ =	shalt  }
0x44: {  	_ =	shalt  }
0x45: {  	_ =	shalt  }
0x46: {  	_ =	shalt  }
0x47: {  	_ =	shalt  }
0x48: {  	_ =	shalt  }
0x49: {  	_ =	shalt  }
0x4a: {  	_ =	shalt  }
0x4b: {  	_ =	shalt  }
0x4c: {  	_ =	shalt  }
0x4d: {  	_ =	shalt  }
0x4e: {  	_ =	shalt  }
0x4f: {  	_ =	shalt  }
0x50: {  	_ =	shalt  }
0x51: {  	_ =	shalt  }
0x52: {  	_ =	shalt  }
0x53: {  	_ =	shalt  }
0x54: {  	_ =	shalt  }
0x55: {  	_ =	shalt  }
0x56: {  	_ =	shalt  }
0x57: {  	_ =	shalt  }
0x58: {  	_ =	shalt  }
0x59: {  	_ =	shalt  }
0x5a: {  	_ =	shalt  }
0x5b: {  	_ =	shalt  }
0x5c: {  	_ =	shalt  }
0x5d: {  	_ =	shalt  }
0x5e: {  	_ =	shalt  }
0x5f: {  	_ =	shalt  }
0x60: {  	_ =	shalt  }
0x61: {  	_ =	shalt  }
0x62: {  	_ =	shalt  }
0x63: {  	_ =	shalt  }
0x64: {  	_ =	shalt  }
0x65: {  	_ =	shalt  }
0x66: {  	_ =	shalt  }
0x67: {  	_ =	shalt  }
0x68: {  	_ =	shalt  }
0x69: {  	_ =	shalt  }
0x6a: {  	_ =	shalt  }
0x6b: {  	_ =	shalt  }
0x6c: {  	_ =	shalt  }
0x6d: {  	_ =	shalt  }
0x6e: {  	_ =	shalt  }
0x6f: {  	_ =	shalt  }
0x70: {  	_ =	shalt  }
0x71: {  	_ =	shalt  }
0x72: {  	_ =	shalt  }
0x73: {  	_ =	shalt  }
0x74: {  	_ =	shalt  }
0x75: {  	_ =	shalt  }
0x76: {  	_ =	shalt  }
0x77: {  	_ =	shalt  }
0x78: {  	_ =	shalt  }
0x79: {  	_ =	shalt  }
0x7a: {  	_ =	shalt  }
0x7b: {  	_ =	shalt  }
0x7c: {  	_ =	shalt  }
0x7d: {  	_ =	shalt  }
0x7e: {  	_ =	shalt  }
0x7f: {  	_ =	shalt  }
0x80: {  	_ =	shalt  }
0x81: {  	_ =	shalt  }
0x82: {  	_ =	shalt  }
0x83: {  	_ =	shalt  }
0x84: {  	_ =	shalt  }
0x85: {  	_ =	shalt  }
0x86: {  	_ =	shalt  }
0x87: {  	_ =	shalt  }
.Lfunc_end0:
.L_simem_size_0:
called_computation.2_lowered:
.L_overlay_start_0:
0x88: {  	s2 =	sld [smem:$0x3FD9]  }
0x89: {  	s3 =	sld [smem:$0x3FFE];
	_ =	sdelay $0x1  }
0x8a: {  	s1 =	srdreg.scid  }
0x8b: {  	s0 =	sand.u32 $0x1, s1  }
0x8c: {  	s16 =	sshll.u32 s0, $0xA;
	s2 =	sadd.s32 s3, s2  }
0x8d: {  	s2 =	sadd.s32 s2, s16  }
0x8e: {  	[smem:$0x3FC0] =	sst s2  }
0x8f: {  	_ = 	snop  }
0x90: {  	(tm) =	ssettm $0x1  }
0x91: {  	s17 =	sld [smem:$0x3FFB];
	_ =	sdelay $0x3  }
0x92: {  	_ =	strace s17  }
0x93: {  	s2 =	sld [smem:$0x3FFC];
	_ =	sdelay $0x3  }
0x94: {  	_ =	strace s2  }
0x95: {  	s2 =	sld [smem:$0x3FFD];
	_ =	sdelay $0x3  }
0x96: {  	_ =	strace s2  }
0x97: {  	_ =	strace $0x8FFFFFFF  }
0x98: {  	s18 =	sld [smem:$0x3FDB];
	_ =	sdelay $0x1  }
0x99: {  	s19 =	simm.s32 $_scs_section_size  }
0x9a: {  	s4 =	simm.s32 $_size__tile_overlayer_lowered;
	s5 =	simm.s32 $_tile_overlayer_lowered  }
0x9b: {  	s22 =	simm.s32 $0x1BFF;
	s21 =	sshll.u32 s5, $0x1;
	s2 =	sadd.s32 s19, s18  }
0x9c: {  	s6 =	simm.s32 $0x0;
	s20 =	sshll.u32 s4, $0x1;
	s4 =	sadd.s32 s21, s2  }
0x9d: {  	[timem:s6], [sflag:s22] =	dma.local [hbm:s4], s20  }
0x9e: {  	_ =	swait.ge [sflag:s22], s20  }
0x9f: {  	s3 =	ssub.s32 $0x0, s20;
	[sflag:s22] =	ssyncset.done $0x0  }
0xa0: {  	[sflag:s22] =	ssyncadd.s32 s3;
	_ =	sdelay $0x1  }
0xa1: {  	s23 =	simm.s32 $0x1B8B  }
0xa2: {  	_ =	swait.ge [sflag:s23], $0x1  }
0xa3: {  	[sflag:s23] =	ssyncset.done $0x0  }
0xa4: {  	s25 =	simm.s32 $0x1B8E;
	s24 =	sld [smem:$0x3FFE];
	[sflag:s23] =	ssyncadd.s32 $0xFFFFFFFF  }
0xa5: {  	s26 =	simm.s32 $execute0_lowered;
	[smem:$0x3FD2] =	sst s25  }
0xa6: {  	s4 =	sshll.u32 s26, $0x1;
	_ =	strace $0x8000004C;
	[dreg:$0x1] =	wrdreg $0xFFFFFFFF  }
0xa7: {  	s28 =	simm.s32 $_size_execute0_lowered;
	s2 =	sadd.s32 s2, s4;
	[dreg:$0x0] =	wrdreg $0x0  }
0xa8: {  	s4 =	sshll.u32 s28, $0x1;
	[dreg:$0x2] =	wrdreg s2  }
0xa9: {  	[dreg:$0x3] =	wrdreg s4  }
0xaa: {  	[dreg:$0x4] =	wrdreg $0xC0  }
0xab: {  	_ =	task [dreg:s6], $0x5FFFF  }
0xac: {  	[dreg:$0x1] =	wrdreg $0xFFFFFFFF  }
0xad: {  	[dreg:$0x0] =	wrdreg $0x60  }
0xae: {  	[dreg:$0x2] =	wrdreg s24  }
0xaf: {  	[dreg:$0x3] =	wrdreg $0xCF000  }
0xb0: {  	[dreg:$0x4] =	wrdreg $0x9  }
0xb1: {  	_ =	task.clear_ibuf [dreg:s6], $0x5FFFF;
	_ =	strace $0x9000004C  }
0xb2: {  	s29 =	simm.s32 $0x9;
	_ =	strace $0x8000004E  }
0xb3: {  	_ =	swait.ge [sflag:s29], $0x1  }
0xb4: {  	[sflag:s29] =	ssyncadd.s32 $0xFFFFFFFF  }
0xb5: {  	_ =	strace $0x9000004E  }
0xb6: {  	_ =	sfence  }
0xb7: {  	s30 =	sld [smem:$0x0];
	_ =	sdelay $0x2  }
0xb8: {  	s31 =	sshll.u32 s1, $0xD;
	s1 =	sshrl.u32 s1, $0x2  }
0xb9: {  	s3 =	sand.u32 $0x4000, s31;
	s1 =	sadd.s32 s1, s30  }
0xba: {  	s0 =	sor.u32 s3, s0;
	s1 =	sshll.u32 s1, $0x11  }
0xbb: {  	s0 =	sor.u32 s1, s0  }
0xbc: {  	s0 =	sadd.s32 $0x8F2B, s0  }
0xbd: {  	[sflag:s0] =	ssyncadd.remote.s32 $0x1  }
0xbe: {  	_ =	sfence.sel $0xFFFF  }
0xbf: {  	[dreg:$0x0] =	wrdreg $0xFFFFFFFF;
	(pc) =	sbr.abs _section_cstart, $3  }
0xc0: {  	[dreg:$0x1] =	wrdreg $0xFFFFFFFF  }
0xc1: {  	_ =	task.clear_ibuf [dreg:s6], $0x2FFFF;
	_ =	strace $0x9FFFFFFF  }
0xc2: {  	(tm) =	ssettm $0x7FFFFFFF  }
0xc3: {  	_ =	shalt  }
tec
execute0_lowered:
.L_overlay_start_1:
0x0: {  	(tag) =	ssettag $0x1  }
0x1: {  	s5 =	rddreg [dreg:$0x0]  }
0x2: {  	s2 =	rddreg [dreg:$0x1]  }
0x3: {  	s0 =	stileid.u32;
	s4 =	srdreg.scid;
	s3 =	simm.s32 $0x0  }
0x4: {  	s16 =	simm.s32 $0x80;
	s18 =	simm.s32 $0x5F00;
	s19 =	simm.s32 $0x100  }
0x5: {  	s20 =	simm.s32 $0x6F00;
	s21 =	simm.s32 $0x180;
	s22 =	simm.s32 $0x7F00  }
0x6: {  	s23 =	simm.s32 $0x0;
	s6 =	smul.u32 $0x4F00, s0;
	s7 =	sand.u32 $0x1, s4  }
0x7: {  	[smem:$0x7FF] =	sst s3;
	s9 =	sadd.s32 $0xAE00, s5;
	s10 =	sadd.s32 $0x1000, s5  }
0x8: {  	s4 =	sadd.s32 $0x14C00, s5;
	s28 =	sshll.u32 s0, $0x6;
	s30 =	sshll.u32 s0, $0x4  }
0x9: {  	s8 =	smul.u32 $0x4F000, s7;
	_ =	strace $0x8000004D;
	s12 =	ssub.s32 $0x2, s7  }
0xa: {  	s7 =	sshll.u32 s7, $0x4;
	s31 =	sor.u32 $0x9C00, s30;
	s11 =	sshrl.u32 s6, $0x3  }
0xb: {  	s26 =	sshrl.u32 s12, $0x1;
	s14 =	sor.u32 s0, s7;
	s15 =	sadd.s32 s6, s2  }
0xc: {  	s8 =	sadd.s32 s6, s8;
	s11 =	sadd.s32 s11, s5;
	s12 =	ssub.s32 s12, s26  }
0xd: {  	s29 =	smul.u32 $0x4E0, s14;
	s6 =	sor.u32 $0x1C09, s28;
	p0 =	sgt.u32 s14, $0x3  }
0xe: {  	s14 =	simm.s32 $0x9;
	s8 =	sshrl.u32 s8, $0x3;
	s12 =	smax.u32 s12, $0x1  }
0xf: {  	s13 =	sadd.s32 s8, s5;
	s5 =	sadd.s32 $0x1EA00, s11;
	s7 =	sadd.s32 s9, s29  }
0x10: {  	s8 =	sadd.s32 s10, s29;
	s9 =	sadd.s32 s9, s31;
	s10 =	sadd.s32 s10, s31  }
0x11: {  	s11 =	sadd.s32 $0x28800, s13;
	s13 =	sshrl.u32 s15, $0x3;
	s15 =	simm.s32 $0x2700  }
.LBB2_1:
0x12: {  	[spmem:s13], [sflag:s6] =	dma.local [hbm:s5], $0x9E0  }
0x13: {  	_ =	swait.ge [sflag:s14], $0x9E0  }
0x14: {  	[sflag:s14] =	ssyncset.done $0x0  }
0x15: {  	[sflag:s14] =	ssyncadd.s32 $0xFFFFF620  }
0x16: {  	[tilespmem:s3], [sflag:$0x9] =	stream.linear.gather [hbm4b:s7+s3], $0x2700, $0x38;
	[tilespmem:$0x11E00] =	vst v63  }
0x17: {  	_ =	swait.ge [sflag:s14], $0x2700  }
0x18: {  	[sflag:s14] =	ssyncset.done $0x0  }
0x19: {  	[sflag:s14] =	ssyncadd.s32 $0xFFFFD900  }
0x1a: {  	[tilespmem:s15], [sflag:$0x9] =	stream.linear.gather [hbm4b:s8+s3], $0x2700, $0x38;
	[tilespmem:$0x11E00] =	vst v63  }
0x1b: {  	_ =	swait.ge [sflag:s14], $0x2700  }
0x1c: {  	[sflag:s14] =	ssyncset.done $0x0  }
0x1d: {  	s24 =	simm.s32 @!p0 $0x0;
	s25 =	simm.s32 @!p0 $0x4E00;
	[sflag:s14] =	ssyncadd.s32 $0xFFFFD900  }
0x1e: {  	[tilespmem:s25], [sflag:$0x9] =	stream.linear.gather @!p0 [hbm4b:s9+s24], $0x80, $0x38;
	[tilespmem:$0x11E00] =	vst v63  }
0x1f: {  	s25 =	simm.s32 @!p0 $0x9  }
0x20: {  	_ =	swait.ge @!p0 [sflag:s25], $0x80  }
0x21: {  	[sflag:s25] =	ssyncset.done @!p0 $0x0  }
0x22: {  	s26 =	simm.s32 @!p0 $0x4E80;
	[sflag:s25] =	ssyncadd.s32 @!p0 $0xFFFFFF80  }
0x23: {  	[tilespmem:s26], [sflag:$0x9] =	stream.linear.gather @!p0 [hbm4b:s10+s24], $0x80, $0x38;
	[tilespmem:$0x11E00] =	vst v63  }
0x24: {  	_ =	swait.ge @!p0 [sflag:s25], $0x80  }
0x25: {  	[sflag:s25] =	ssyncset.done @!p0 $0x0  }
0x26: {  	[sflag:s25] =	ssyncadd.s32 @!p0 $0xFFFFFF80  }
0x27: {  	s0 =	simm.s32 $0x4F00;
	[bflag:$0x0] =	sbarrier.arrive $0xFFFF  }
0x28: {  	[tilespmem:s0], [sflag:$0x1] =	stream.indirect.gather [hbm4b:s4+s16], $0x20, s3, s16, $0xb8;
	[tilespmem:$0x11E00] =	vst v63  }
0x29: {  	p1 =	por $0x0, $0x0;
	s30 =	simm.s32 $0x0;
	s24 =	simm.s32 $0x4  }
0x2a: {  	[tilespmem:s18], [sflag:$0x2] =	stream.indirect.gather [hbm4b:s4+s16], $0x20, s16, s16, $0xb8;
	[tilespmem:$0x11E00] =	vst v63  }
0x2b: {  	s28 =	sand.u32 $0x7, s30;
	s24 =	sand.u32 @!p1 $0x7, s24  }
0x2c: {  	[tilespmem:s20], [sflag:$0x3] =	stream.indirect.gather [hbm4b:s4+s16], $0x20, s19, s16, $0xb8;
	[tilespmem:$0x11E00] =	vst v63  }
0x2d: {  	s29 =	simm.s32 @!p1 $0x80;
	s31 =	sadd.s32 $0x1, s28;
	s25 =	sshll.u32 @!p1 s24, $0xC  }
0x2e: {  	[tilespmem:s22], [sflag:$0x4] =	stream.indirect.gather [hbm4b:s4+s16], $0x20, s21, s16, $0xb8;
	[tilespmem:$0x11E00] =	vst v63  }
0x2f: {  	s26 =	simm.s32 $0x200;
	s24 =	sadd.s32 @!p1 $0x1, s24;
	s25 =	sadd.s32 @!p1 $0x4F00, s25  }
0x30: {  	[tilespmem:s25], [sflag:s24] =	stream.indirect.gather @!p1 [hbm4b:s4+s29], $0x20, s26, s29, $0xb8;
	[tilespmem:$0x11E00] =	vst v63  }
0x31: {  	s28 =	sshll.u32 s28, $0xC;
	_ =	swait.ge [sflag:s31], $0x1000  }
0x32: {  	s28 =	sadd.s32 $0x4F00, s28;
	s25 =	simm.s32 $0x5;
	[sflag:s31] =	ssyncset.done $0x0  }
0x33: {  	s26 =	simm.s32 $0x6;
	s24 =	simm.s32 $0x2780;
	[sflag:s31] =	ssyncadd.s32 $0xFFFFF000  }
0x34: {  	[spmem:s2] =	stream.indirect.scatter.add.f32 [tilespmem:s28], [sflag:$0x9], $0x20, s15, s16, $0xb8;
	[tilespmem:$0x11E00] =	vst v63  }
0x35: {  	s29 =	simm.s32 $0x1;
	p1 =	por $0x0, $0x0;
	_ =	swait.ge [sflag:s14], $0x1000  }
0x36: {  	s29 =	sand.u32 $0x7, s29;
	s28 =	simm.s32 $0x280;
	[sflag:s14] =	ssyncset.done $0x0  }
.LBB2_2:
0x37: {  	s30 =	sand.u32 @!p1 $0x7, s25;
	[sflag:s14] =	ssyncadd.s32 $0xFFFFF000  }
0x38: {  	s25 =	smov.u32 s26;
	s26 =	sadd.s32 $0x1, s26;
	s31 =	smov.u32 s24  }
0x39: {  	p2 =	sne.s32 s26, $0x52;
	s0 =	sshll.u32 @!p1 s30, $0xC;
	s30 =	sadd.s32 @!p1 $0x1, s30  }
0x3a: {  	s1 =	simm.s32 @!p1 $0x80;
	s17 =	sadd.s32 $0x1, s29;
	s0 =	sadd.s32 @!p1 $0x4F00, s0  }
0x3b: {  	[tilespmem:s0], [sflag:s30] =	stream.indirect.gather @!p1 [hbm4b:s4+s1], $0x20, s28, s1, $0xb8;
	[tilespmem:$0x11E00] =	vst v63  }
0x3c: {  	_ =	swait.ge [sflag:s17], $0x1000  }
.Ltmp0:
0x3d: {  	s0 =	sshll.u32 s29, $0xC;
	[sflag:s17] =	ssyncset.done $0x0;
	(pc) =	sbr.rel @p2 .LBB2_2-.Ltmp0, $4  }
0x3e: {  	s24 =	sadd.s32 $0x80, s24;
	s0 =	sadd.s32 $0x4F00, s0;
	[sflag:s17] =	ssyncadd.s32 $0xFFFFF000  }
0x3f: {  	[spmem:s2] =	stream.indirect.scatter.add.f32 [tilespmem:s0], [sflag:$0x9], $0x20, s31, s16, $0xb8;
	[tilespmem:$0x11E00] =	vst v63  }
0x40: {  	s28 =	sadd.s32 $0x80, s28;
	s0 =	sadd.s32 $0xFFFFFFFC, s25;
	_ =	swait.ge [sflag:s14], $0x1000  }
0x41: {  	p1 =	sgt.u32 s0, $0x49;
	s29 =	sand.u32 $0x7, s0;
	[sflag:s14] =	ssyncset.done $0x0  }
0x42: {  	s0 =	sand.u32 @!p1 $0x7, s25  }
0x43: {  	[sflag:s14] =	ssyncadd.s32 $0xFFFFF000;
	s17 =	simm.s32 @!p1 $0x80;
	s1 =	sshll.u32 @!p1 s0, $0xC  }
0x44: {  	s30 =	sadd.s32 $0x1, s29;
	s0 =	sadd.s32 @!p1 $0x1, s0;
	s1 =	sadd.s32 @!p1 $0x4F00, s1  }
0x45: {  	[tilespmem:s1], [sflag:s0] =	stream.indirect.gather @!p1 [hbm4b:s4+s17], $0x20, s28, s17, $0xb8;
	[tilespmem:$0x11E00] =	vst v63  }
0x46: {  	_ =	swait.ge [sflag:s30], $0x1000  }
0x47: {  	s31 =	sshll.u32 s29, $0xC;
	[sflag:s30] =	ssyncset.done $0x0  }
0x48: {  	s0 =	sadd.s32 $0x4F00, s31;
	[sflag:s30] =	ssyncadd.s32 $0xFFFFF000  }
0x49: {  	[spmem:s2] =	stream.indirect.scatter.add.f32 [tilespmem:s0], [sflag:$0x9], $0x20, s24, s16, $0xb8;
	[tilespmem:$0x11E00] =	vst v63  }
0x4a: {  	_ =	swait.ge [sflag:s14], $0x1000  }
0x4b: {  	s1 =	simm.s32 @!p0 $0x4E00;
	[sflag:s14] =	ssyncset.done $0x0  }
0x4c: {  	s17 =	simm.s32 @!p0 $0x4F00;
	s0 =	simm.s32 @!p0 $0x80;
	[sflag:s14] =	ssyncadd.s32 $0xFFFFF000  }
0x4d: {  	[tilespmem:s17], [sflag:$0x9] =	stream.indirect.gather @!p0 [hbm4b:s4+s0], $0x20, s1, s0, $0xb8;
	[tilespmem:$0x11E00] =	vst v63  }
0x4e: {  	s1 =	simm.s32 @!p0 $0x9  }
0x4f: {  	_ =	swait.ge @!p0 [sflag:s1], $0x1000  }
0x50: {  	[sflag:s1] =	ssyncset.done @!p0 $0x0  }
0x51: {  	s24 =	simm.s32 @!p0 $0x4E80;
	[sflag:s1] =	ssyncadd.s32 @!p0 $0xFFFFF000  }
0x52: {  	[spmem:s2] =	stream.indirect.scatter.add.f32 @!p0 [tilespmem:s17], [sflag:$0x9], $0x20, s24, s0, $0xb8;
	[tilespmem:$0x11E00] =	vst v63  }
0x53: {  	_ =	swait.ge @!p0 [sflag:s1], $0x1000  }
0x54: {  	s23 =	sadd.s32 $0x1, s23;
	[sflag:s1] =	ssyncset.done @!p0 $0x0  }
0x55: {  	p1 =	sne.s32 s23, s12;
	[sflag:s1] =	ssyncadd.s32 @!p0 $0xFFFFF000  }
.Ltmp1:
0x56: {  	[bflag:$0x0] =	sbarrier.arrive $0xFFFF;
	(pc) =	sbr.rel @p1 .LBB2_1-.Ltmp1, $4  }
0x57: {  	[hbm:s11], [sflag:s6] =	dma.local [spmem:s13], $0x9E0  }
0x58: {  	_ =	swait.ge [sflag:s14], $0x9E0  }
0x59: {  	[sflag:s14] =	ssyncset.done $0x0  }
0x5a: {  	[sflag:s14] =	ssyncadd.s32 $0xFFFFF620  }
0x5b: {  	_ =	sfence.sel $0x180000  }
0x5c: {  	[bflag:$0x0] =	sbarrier.arrive $0xFFFF  }
0x5d: {  	_ =	strace $0x9000004D  }
0x5e: {  	s0 =	stileid.u32;
	[bflag:$0x2] =	sbarrier.arrive $0xFFFF  }
0x5f: {  	p0 =	sne.s32 s0, $0x0;
	s0 =	rddreg [dreg:$0x2]  }
0x60: {  	s0 =	sadd.s32 @!p0 $0x100000, s0  }
0x61: {  	[sflag:s0] =	ssyncadd.tile.s32 @!p0 $0x1;
	_ =	shalt  }
.Lfunc_end2:
_tile_overlayer_lowered:
.L_overlay_start_2:
0x62: {  	(tag) =	ssettag $0x2  }
0x63: {  	s0 =	rddreg [dreg:$0x0];
	s2 =	stileid.u32  }
0x64: {  	s1 =	rddreg [dreg:$0x1];
	p0 =	sne.s32 s2, $0x0  }
0x65: {  	s3 =	rddreg [dreg:$0x2];
	[bflag:$0x3] =	sbarrier.arrive $0xFFFF;
	s2 =	simm.s32 @!p0 $0x1C09  }
0x66: {  	[timem:s3], [sflag:s2] =	dma.local @!p0 [hbm:s0], s1  }
0x67: {  	s0 =	simm.s32 @!p0 $0x9  }
0x68: {  	_ =	swait.ge @!p0 [sflag:s0], s1  }
0x69: {  	s1 =	ssub.s32 @!p0 $0x0, s1;
	[sflag:s0] =	ssyncset.done @!p0 $0x0  }
0x6a: {  	[sflag:s0] =	ssyncadd.s32 @!p0 s1  }
0x6b: {  	[bflag:$0x3] =	sbarrier.arrive $0xFFFF  }
0x6c: {  	_ =	shalt  }

// kernel: kernel.9.cloned.1.call-start
scs
__scs_entry_jumppad:
0x0: {  	(pc) =	sbr.rel $0x88, $3  }
0x1: {  	(tag) =	ssettag $0x0;
	lr =	simm.s32 $0x1  }
0x2: {  	[smem:$0x3F99] =	sst lr;
	_ =	strace $0xD0000000  }
0x3: {  	_ = 	snop  }
0x4: {  	_ = 	snop  }
0x5: {  	_ = 	snop  }
0x6: {  	_ = 	snop  }
0x7: {  	_ = 	snop  }
__scs_overlays_trampoline_lowered:
0x8: {  	[smem:$0x3FA8] =	sst s0  }
0x9: {  	[smem:$0x3FA9] =	sst s1  }
0xa: {  	[smem:$0x3FAA] =	sst s2  }
0xb: {  	[smem:$0x3FAB] =	sst s3  }
0xc: {  	[smem:$0x3FAC] =	sst s4  }
0xd: {  	[smem:$0x3FAD] =	sst s5  }
0xe: {  	[smem:$0x3FAE] =	sst s6  }
0xf: {  	[smem:$0x3FAF] =	sst s7  }
0x10: {  	[smem:$0x3FB0] =	sst s8  }
0x11: {  	[smem:$0x3FB1] =	sst s9;
	s0 =	simm.s32 @!p0 $0x0  }
0x12: {  	s1 =	sld [smem:$0x3F97];
	s0 =	simm.s32 @p0 $0x1  }
0x13: {  	[smem:$0x3FB2] =	sst s0;
	s0 =	simm.s32 @!p1 $0x0  }
0x14: {  	s2 =	sld [smem:$0x3F96];
	s0 =	simm.s32 @p1 $0x1  }
0x15: {  	[smem:$0x3FB3] =	sst s0;
	s0 =	simm.s32 @!p2 $0x0  }
0x16: {  	s3 =	sld [smem:$0x3FDB];
	s0 =	simm.s32 @p2 $0x1  }
0x17: {  	s4 =	simm.s32 $0x1BF5;
	[smem:$0x3FB5] =	sst s0  }
0x18: {  	s0 =	sld [smem:$0x3F98];
	_ =	swait.ge [sflag:s4], $0x0  }
0x19: {  	s7 =	sld [smem:$0x3F99]  }
0x1a: {  	s8 =	sadd.s32 $0xFFFFE003, lr  }
0x1b: {  	s9 =	sadd.s32 $0xFFFFFEF7, lr;
	s5 =	simm.s32 $0xFFFFFFFF;
	p2 =	slt.u32 s8, $0xFFFFF086  }
0x1c: {  	p1 =	slt.u32 s9, $0xF7A;
	s5 =	simm.s32 @!p2 $0x0  }
0x1d: {  	s5 =	simm.s32 @p1 $0x1;
	p0 =	seq.s32 s7, s2  }
0x1e: {  	s7 =	smul.u32 @!p0 $0xF7A, s2;
	p2 =	seq.s32 @!p0 s5, $0x0  }
0x1f: {  	s9 =	smul.u32 $0xF7A, s1;
	s8 =	simm.s32 @!p0 $0x1BF5;
	p2 =	por !p2, p0  }
0x20: {  	[sflag:s8] =	ssyncset.s32 @!p0 $0xFFFFF086;
	s6 =	sadd.s32 @!p0 s3, s7;
	s7 =	simm.s32 @!p0 $0x108  }
0x21: {  	s3 =	sadd.s32 s3, s9;
	s6 =	sadd.s32 @!p0 $0x88, s6;
	s7 =	simm.s32 @p2 $0x1082  }
0x22: {  	[simem:s7], [sflag:s8] =	dma.local @!p0 [hbm:s6], $0xF7A  }
0x23: {  	s9 =	sor.u32 $0xD0000000, s2;
	s6 =	simm.s32 $0x108;
	_ =	swait.ge @!p0 [sflag:s8], $0x0  }
0x24: {  	s3 =	sadd.s32 $0x88, s3;
	s6 =	simm.s32 @!p1 $0x1082;
	[sflag:s4] =	ssyncset.s32 $0xFFFFF086  }
0x25: {  	[simem:s6], [sflag:s4] =	dma.local [hbm:s3], $0xF7A  }
0x26: {  	[smem:$0x3F99] =	sst s1;
	(tag) =	ssettag s2;
	_ =	strace s9  }
0x27: {  	s1 =	sld [smem:$0x3FA9]  }
0x28: {  	s2 =	sld [smem:$0x3FAA]  }
0x29: {  	s4 =	sld [smem:$0x3FAC]  }
0x2a: {  	p0 =	seq.s32 s5, $0x0;
	s5 =	sld [smem:$0x3FAD]  }
0x2b: {  	s6 =	sld [smem:$0x3FAE]  }
0x2c: {  	s7 =	sld [smem:$0x3FAF]  }
0x2d: {  	s3 =	simm.s32 $0x108;
	s8 =	sld [smem:$0x3FB0]  }
0x2e: {  	s3 =	simm.s32 @!p0 $0x1082;
	s9 =	sld [smem:$0x3FB1]  }
0x2f: {  	lr =	sadd.s32 s0, s3;
	s0 =	sld [smem:$0x3FA8]  }
0x30: {  	s3 =	sld [smem:$0x3FAB]  }
0x31: {  	[smem:$0x3FB4] =	sst s10  }
0x32: {  	s10 =	sld [smem:$0x3FB2];
	_ =	sdelay $0x3  }
0x33: {  	p0 =	seq.s32 s10, $0x1;
	s10 =	sld [smem:$0x3FB4];
	_ =	sdelay $0x3  }
0x34: {  	[smem:$0x3FB4] =	sst s10  }
0x35: {  	s10 =	sld [smem:$0x3FB3];
	_ =	sdelay $0x3  }
0x36: {  	p1 =	seq.s32 s10, $0x1;
	s10 =	sld [smem:$0x3FB4];
	_ =	sdelay $0x3  }
0x37: {  	[smem:$0x3FB4] =	sst s10  }
0x38: {  	s10 =	sld [smem:$0x3FB5]  }
0x39: {  	_ = 	snop;
	(pc) =	sbr.ind lr, $3  }
0x3a: {  	_ = 	snop  }
0x3b: {  	_ = 	snop  }
0x3c: {  	p2 =	seq.s32 s10, $0x1;
	s10 =	sld [smem:$0x3FB4]  }
0x3d: {  	_ =	shalt  }
0x3e: {  	_ =	shalt  }
0x3f: {  	_ =	shalt  }
0x40: {  	_ =	shalt  }
0x41: {  	_ =	shalt  }
0x42: {  	_ =	shalt  }
0x43: {  	_ =	shalt  }
0x44: {  	_ =	shalt  }
0x45: {  	_ =	shalt  }
0x46: {  	_ =	shalt  }
0x47: {  	_ =	shalt  }
0x48: {  	_ =	shalt  }
0x49: {  	_ =	shalt  }
0x4a: {  	_ =	shalt  }
0x4b: {  	_ =	shalt  }
0x4c: {  	_ =	shalt  }
0x4d: {  	_ =	shalt  }
0x4e: {  	_ =	shalt  }
0x4f: {  	_ =	shalt  }
0x50: {  	_ =	shalt  }
0x51: {  	_ =	shalt  }
0x52: {  	_ =	shalt  }
0x53: {  	_ =	shalt  }
0x54: {  	_ =	shalt  }
0x55: {  	_ =	shalt  }
0x56: {  	_ =	shalt  }
0x57: {  	_ =	shalt  }
0x58: {  	_ =	shalt  }
0x59: {  	_ =	shalt  }
0x5a: {  	_ =	shalt  }
0x5b: {  	_ =	shalt  }
0x5c: {  	_ =	shalt  }
0x5d: {  	_ =	shalt  }
0x5e: {  	_ =	shalt  }
0x5f: {  	_ =	shalt  }
0x60: {  	_ =	shalt  }
0x61: {  	_ =	shalt  }
0x62: {  	_ =	shalt  }
0x63: {  	_ =	shalt  }
0x64: {  	_ =	shalt  }
0x65: {  	_ =	shalt  }
0x66: {  	_ =	shalt  }
0x67: {  	_ =	shalt  }
0x68: {  	_ =	shalt  }
0x69: {  	_ =	shalt  }
0x6a: {  	_ =	shalt  }
0x6b: {  	_ =	shalt  }
0x6c: {  	_ =	shalt  }
0x6d: {  	_ =	shalt  }
0x6e: {  	_ =	shalt  }
0x6f: {  	_ =	shalt  }
0x70: {  	_ =	shalt  }
0x71: {  	_ =	shalt  }
0x72: {  	_ =	shalt  }
0x73: {  	_ =	shalt  }
0x74: {  	_ =	shalt  }
0x75: {  	_ =	shalt  }
0x76: {  	_ =	shalt  }
0x77: {  	_ =	shalt  }
0x78: {  	_ =	shalt  }
0x79: {  	_ =	shalt  }
0x7a: {  	_ =	shalt  }
0x7b: {  	_ =	shalt  }
0x7c: {  	_ =	shalt  }
0x7d: {  	_ =	shalt  }
0x7e: {  	_ =	shalt  }
0x7f: {  	_ =	shalt  }
0x80: {  	_ =	shalt  }
0x81: {  	_ =	shalt  }
0x82: {  	_ =	shalt  }
0x83: {  	_ =	shalt  }
0x84: {  	_ =	shalt  }
0x85: {  	_ =	shalt  }
0x86: {  	_ =	shalt  }
0x87: {  	_ =	shalt  }
.Lfunc_end0:
.L_simem_size_0:
called_computation_lowered:
.L_overlay_start_0:
0x88: {  	s2 =	sld [smem:$0x3FD9]  }
0x89: {  	s3 =	sld [smem:$0x3FFE];
	_ =	sdelay $0x1  }
0x8a: {  	s1 =	srdreg.scid  }
0x8b: {  	s0 =	sand.u32 $0x1, s1  }
0x8c: {  	s17 =	sshll.u32 s0, $0xA;
	s2 =	sadd.s32 s3, s2  }
0x8d: {  	s2 =	sadd.s32 s2, s17  }
0x8e: {  	[smem:$0x3FC0] =	sst s2  }
0x8f: {  	_ = 	snop  }
0x90: {  	s2 =	sld [smem:$0x3FD0];
	(tm) =	ssettm $0x1  }
0x91: {  	s18 =	sld [smem:$0x3FFB];
	_ =	sdelay $0x3  }
0x92: {  	_ =	strace s18  }
0x93: {  	s3 =	sld [smem:$0x3FFC];
	_ =	sdelay $0x3  }
0x94: {  	_ =	strace s3  }
0x95: {  	s3 =	sld [smem:$0x3FFD];
	_ =	sdelay $0x3  }
0x96: {  	_ =	strace s3  }
0x97: {  	_ =	strace $0x8FFFFFFF  }
0x98: {  	s19 =	sld [smem:$0x3FDB];
	_ =	sdelay $0x1  }
0x99: {  	s4 =	simm.s32 $_scs_section_size  }
0x9a: {  	s5 =	simm.s32 $_size__tile_overlayer_lowered;
	s6 =	simm.s32 $_tile_overlayer_lowered  }
0x9b: {  	s22 =	simm.s32 $0x1BFF;
	s21 =	sshll.u32 s6, $0x1;
	s3 =	sadd.s32 s4, s19  }
0x9c: {  	s7 =	simm.s32 $0x0;
	s20 =	sshll.u32 s5, $0x1;
	s5 =	sadd.s32 s21, s3  }
0x9d: {  	[timem:s7], [sflag:s22] =	dma.local [hbm:s5], s20  }
0x9e: {  	_ =	swait.ge [sflag:s22], s20  }
0x9f: {  	s4 =	ssub.s32 $0x0, s20;
	[sflag:s22] =	ssyncset.done $0x0  }
0xa0: {  	[sflag:s22] =	ssyncadd.s32 s4;
	_ =	sdelay $0x1  }
0xa1: {  	s23 =	simm.s32 $0x1B8B  }
0xa2: {  	_ =	swait.ge [sflag:s23], $0x1  }
0xa3: {  	[sflag:s23] =	ssyncset.done $0x0  }
0xa4: {  	s25 =	simm.s32 $0x1B8E;
	s24 =	sld [smem:$0x3FFE];
	[sflag:s23] =	ssyncadd.s32 $0xFFFFFFFF  }
0xa5: {  	s26 =	simm.s32 $execute0_lowered;
	[smem:$0x3FD2] =	sst s25  }
0xa6: {  	s5 =	sshll.u32 s26, $0x1;
	_ =	strace $0x80000046;
	[dreg:$0x1] =	wrdreg $0xFFFFFFFF  }
0xa7: {  	s28 =	simm.s32 $_size_execute0_lowered;
	s3 =	sadd.s32 s3, s5;
	[dreg:$0x0] =	wrdreg $0x0  }
0xa8: {  	s5 =	sshll.u32 s28, $0x1;
	[dreg:$0x2] =	wrdreg s3  }
0xa9: {  	[dreg:$0x3] =	wrdreg s5  }
0xaa: {  	[dreg:$0x4] =	wrdreg $0xC0  }
0xab: {  	_ =	task [dreg:s7], $0x5FFFF  }
0xac: {  	[dreg:$0x1] =	wrdreg $0xFFFFFFFF  }
0xad: {  	[dreg:$0x0] =	wrdreg $0x60  }
0xae: {  	[dreg:$0x2] =	wrdreg s24  }
0xaf: {  	[dreg:$0x3] =	wrdreg s2  }
0xb0: {  	[dreg:$0x4] =	wrdreg $0x2B800  }
0xb1: {  	[dreg:$0x5] =	wrdreg $0x9  }
0xb2: {  	_ =	task.clear_ibuf [dreg:s7], $0x6FFFF;
	_ =	strace $0x90000046  }
0xb3: {  	s29 =	simm.s32 $0x9;
	_ =	strace $0x80000048  }
0xb4: {  	_ =	swait.ge [sflag:s29], $0x1  }
0xb5: {  	[sflag:s29] =	ssyncadd.s32 $0xFFFFFFFF  }
0xb6: {  	_ =	strace $0x90000048  }
0xb7: {  	_ =	sfence  }
0xb8: {  	s30 =	sld [smem:$0x0];
	_ =	sdelay $0x2  }
0xb9: {  	s31 =	sshll.u32 s1, $0xD;
	s1 =	sshrl.u32 s1, $0x2  }
0xba: {  	s3 =	sand.u32 $0x4000, s31;
	s1 =	sadd.s32 s1, s30  }
0xbb: {  	s0 =	sor.u32 s3, s0;
	s1 =	sshll.u32 s1, $0x11  }
0xbc: {  	s0 =	sor.u32 s1, s0  }
0xbd: {  	s0 =	sadd.s32 $0x8F2B, s0  }
0xbe: {  	[sflag:s0] =	ssyncadd.remote.s32 $0x1  }
0xbf: {  	_ =	sfence.sel $0xFFFF  }
0xc0: {  	[dreg:$0x0] =	wrdreg $0xFFFFFFFF;
	(pc) =	sbr.abs _section_cstart, $3  }
0xc1: {  	[dreg:$0x1] =	wrdreg $0xFFFFFFFF  }
0xc2: {  	_ =	task.clear_ibuf [dreg:s7], $0x2FFFF;
	_ =	strace $0x9FFFFFFF  }
0xc3: {  	(tm) =	ssettm $0x7FFFFFFF  }
tec
execute0_lowered:
.L_overlay_start_1:
0x0: {  	(tag) =	ssettag $0x1  }
0x1: {  	s5 =	rddreg [dreg:$0x0]  }
0x2: {  	s2 =	rddreg [dreg:$0x1]  }
0x3: {  	s3 =	rddreg [dreg:$0x2]  }
0x4: {  	s0 =	rddreg [dreg:$0x3]  }
0x5: {  	s1 =	stileid.u32;
	s6 =	srdreg.scid;
	s4 =	simm.s32 $0x0  }
0x6: {  	s15 =	simm.s32 $0x0;
	s7 =	smul.u32 $0x13C0, s1;
	s6 =	sand.u32 $0x1, s6  }
0x7: {  	[smem:$0x7FF] =	sst s4;
	s10 =	sadd.s32 $0x1000, s5;
	s30 =	sshll.u32 s1, $0x6  }
0x8: {  	s31 =	sshll.u32 s1, $0x4;
	s8 =	smul.u32 $0x13C00, s6;
	_ =	strace $0x80000047  }
0x9: {  	s11 =	ssub.s32 $0x2, s6;
	s6 =	sshll.u32 s6, $0x4;
	s9 =	sshrl.u32 s7, $0x3  }
0xa: {  	s28 =	sshrl.u32 s11, $0x1;
	s13 =	sor.u32 s1, s6;
	s14 =	sadd.s32 s7, s3  }
0xb: {  	s6 =	sor.u32 $0x1C01, s30;
	s9 =	sadd.s32 s9, s5;
	s8 =	sadd.s32 s7, s8  }
0xc: {  	s11 =	ssub.s32 s11, s28;
	s29 =	smul.u32 $0x4E0, s13;
	s8 =	sshrl.u32 s8, $0x3  }
0xd: {  	p0 =	sgt.u32 s13, $0x3;
	s13 =	simm.s32 $0x2780;
	s12 =	sadd.s32 s8, s5  }
0xe: {  	s5 =	sadd.s32 $0x14C00, s9;
	s7 =	sadd.s32 s10, s29;
	s8 =	sadd.s32 s31, s10  }
0xf: {  	s10 =	smax.u32 s11, $0x1;
	s11 =	sshrl.u32 s14, $0x3;
	s14 =	simm.s32 $0x80  }
0x10: {  	s8 =	sadd.s32 $0x9C00, s8;
	s9 =	sadd.s32 $0x17400, s12;
	s12 =	simm.s32 $0x1  }
.LBB2_1:
0x11: {  	[spmem:s11], [sflag:s6] =	dma.local [hbm:s5], $0x278  }
0x12: {  	_ =	swait.ge [sflag:s12], $0x278  }
0x13: {  	[sflag:s12] =	ssyncset.done $0x0  }
0x14: {  	[sflag:s12] =	ssyncadd.s32 $0xFFFFFD88  }
0x15: {  	[tilespmem:s4], [sflag:$0x1] =	stream.linear.gather [hbm4b:s7+s4], $0x2700, $0x38;
	[tilespmem:$0x3F40] =	vst v63  }
0x16: {  	_ =	swait.ge [sflag:s12], $0x2700  }
0x17: {  	[sflag:s12] =	ssyncset.done $0x0  }
0x18: {  	[sflag:s12] =	ssyncadd.s32 $0xFFFFD900  }
0x19: {  	[tilespmem:s13], [sflag:$0x1] =	stream.linear.gather [hbm4b:s2+s4], $0x400, $0x38;
	[tilespmem:$0x3F40] =	vst v63  }
0x1a: {  	_ =	swait.ge [sflag:s12], $0x400  }
0x1b: {  	[sflag:s12] =	ssyncset.done $0x0  }
0x1c: {  	s16 =	simm.s32 @!p0 $0x0;
	s17 =	simm.s32 @!p0 $0x2700;
	[sflag:s12] =	ssyncadd.s32 $0xFFFFFC00  }
0x1d: {  	[tilespmem:s17], [sflag:$0x1] =	stream.linear.gather @!p0 [hbm4b:s8+s16], $0x80, $0x38;
	[tilespmem:$0x3F40] =	vst v63  }
0x1e: {  	s16 =	simm.s32 @!p0 $0x1  }
0x1f: {  	_ =	swait.ge @!p0 [sflag:s16], $0x80  }
0x20: {  	[sflag:s16] =	ssyncset.done @!p0 $0x0  }
0x21: {  	[sflag:s16] =	ssyncadd.s32 @!p0 $0xFFFFFF80  }
0x22: {  	s31 =	simm.s32 $0x0;
	[bflag:$0x0] =	sbarrier.arrive $0xFFFF  }
0x23: {  	[spmem:s3] =	stream.indirect.scatter.add.f32 [tilespmem:s13], [sflag:$0x1], $0x8, s31, s14, $0xb8;
	[tilespmem:$0x3F40] =	vst v63  }
0x24: {  	_ =	swait.ge [sflag:s12], $0x400  }
0x25: {  	s16 =	simm.s32 $0x200;
	[sflag:s12] =	ssyncset.done $0x0  }
.LBB2_2:
0x26: {  	s17 =	sshra.s32 s16, $0x2;
	[sflag:s12] =	ssyncadd.s32 $0xFFFFFC00;
	p1 =	sne.s32 s16, $0x9A00  }
0x27: {  	[spmem:s3] =	stream.indirect.scatter.add.f32 [tilespmem:s13], [sflag:$0x1], $0x8, s17, s14, $0xb8;
	[tilespmem:$0x3F40] =	vst v63  }
.Ltmp0:
0x28: {  	_ = 	snop;
	(pc) =	sbr.rel @p1 .LBB2_2-.Ltmp0, $4  }
0x29: {  	_ = 	snop  }
0x2a: {  	s16 =	sadd.s32 $0x200, s16  }
0x2b: {  	_ =	swait.ge [sflag:s12], $0x400  }
0x2c: {  	[sflag:s12] =	ssyncset.done $0x0  }
0x2d: {  	[sflag:s12] =	ssyncadd.s32 $0xFFFFFC00  }
0x2e: {  	s16 =	simm.s32 @!p0 $0x80;
	s17 =	simm.s32 @!p0 $0x2700;
	s18 =	simm.s32 @!p0 $0x2780  }
0x2f: {  	[spmem:s3] =	stream.indirect.scatter.add.f32 @!p0 [tilespmem:s18], [sflag:$0x1], $0x8, s17, s16, $0xb8;
	[tilespmem:$0x3F40] =	vst v63  }
0x30: {  	s16 =	simm.s32 @!p0 $0x1  }
0x31: {  	_ =	swait.ge @!p0 [sflag:s16], $0x400  }
0x32: {  	s15 =	sadd.s32 $0x1, s15;
	[sflag:s16] =	ssyncset.done @!p0 $0x0  }
0x33: {  	p1 =	sne.s32 s15, s10;
	[sflag:s16] =	ssyncadd.s32 @!p0 $0xFFFFFC00  }
.Ltmp1:
0x34: {  	[bflag:$0x0] =	sbarrier.arrive $0xFFFF;
	(pc) =	sbr.rel @p1 .LBB2_1-.Ltmp1, $4  }
0x35: {  	[hbm:s9], [sflag:s6] =	dma.local [spmem:s11], $0x278  }
0x36: {  	_ =	swait.ge [sflag:s12], $0x278  }
0x37: {  	[sflag:s12] =	ssyncset.done $0x0  }
0x38: {  	[sflag:s12] =	ssyncadd.s32 $0xFFFFFD88  }
0x39: {  	_ =	sfence.sel $0x180000  }
0x3a: {  	[bflag:$0x0] =	sbarrier.arrive $0xFFFF  }
0x3b: {  	p0 =	sne.s32 s1, $0x0;
	_ =	strace $0x90000047  }
0x3c: {  	s0 =	sadd.s32 @!p0 $0x100000, s0;
	[bflag:$0x2] =	sbarrier.arrive $0xFFFF  }
0x3d: {  	[sflag:s0] =	ssyncadd.tile.s32 @!p0 $0x1;
	_ =	shalt  }
.Lfunc_end2:
_tile_overlayer_lowered:
.L_overlay_start_2:
0x3e: {  	(tag) =	ssettag $0x2  }
0x3f: {  	s0 =	rddreg [dreg:$0x0];
	s2 =	stileid.u32  }
0x40: {  	s1 =	rddreg [dreg:$0x1];
	p0 =	sne.s32 s2, $0x0  }
0x41: {  	s3 =	rddreg [dreg:$0x2];
	[bflag:$0x3] =	sbarrier.arrive $0xFFFF;
	s2 =	simm.s32 @!p0 $0x1C01  }
0x42: {  	[timem:s3], [sflag:s2] =	dma.local @!p0 [hbm:s0], s1  }
0x43: {  	s0 =	simm.s32 @!p0 $0x1  }
0x44: {  	_ =	swait.ge @!p0 [sflag:s0], s1  }
0x45: {  	s1 =	ssub.s32 @!p0 $0x0, s1;
	[sflag:s0] =	ssyncset.done @!p0 $0x0  }
0x46: {  	[sflag:s0] =	ssyncadd.s32 @!p0 s1  }
0x47: {  	[bflag:$0x3] =	sbarrier.arrive $0xFFFF  }
0x48: {  	_ =	shalt  }

</sc_bundles>
